<compile_context>
chip_gen: v7x
topology: tpu7x:2x2x1
jax: 0.10.2.dev20260603
libtpu: 0.0.44.dev20260713+nightly
codegen_flags: <defaults>
</compile_context>

<pallas_src>
import functools

import jax
import jax.numpy as jnp
from jax.experimental import pallas as pl
from jax.experimental.pallas import tpu as pltpu
from jax.experimental.pallas import tpu_sc as plsc

CONF_T = 0.9
IOU_T = 0.5
TX1, TY1, TX2, TY2 = 0.3, 0.3, 0.7, 0.7
T_AREA = (TX2 - TX1) * (TY2 - TY1)
NEG = float("-inf")

CHUNK = 2560
CHUNK1 = 10240
NSC = 2
LANES = 16


def _stage1(x_ref, out_ref, *, n_rows):
    j = pl.program_id(1)
    xb = x_ref[0]
    m_c = jnp.max(xb[:, 5:], axis=1, keepdims=True)
    hd = jnp.transpose(xb[:, 0:8])
    mm = jnp.transpose(m_c)
    xc = hd[0:1]
    yc = hd[1:2]
    w2 = hd[2:3] * 0.5
    h2 = hd[3:4] * 0.5
    obj = hd[4:5]
    p0 = hd[5:6] * obj
    conf = mm * obj
    row = j * CHUNK1 + jax.lax.broadcasted_iota(jnp.int32, (1, CHUNK1), 1)
    cand = (row < n_rows) & (obj > CONF_T) & (conf > CONF_T) & (p0 >= conf)
    score = jnp.where(cand, conf, NEG)
    outb = jnp.concatenate(
        [score, xc - w2, yc - h2, xc + w2, yc + h2], axis=0)
    for pp in range(CHUNK1 // CHUNK):
        out_ref[0, pp] = outb[:, pp * CHUNK:(pp + 1) * CHUNK]


def _stage2_sc(staged_ref, out_ref, stage_v, c0_v, c1_v, c2_v, c3_v, c4_v,
               obuf_v, *, n_img, chunks):
    c = jax.lax.axis_index("c")
    s = jax.lax.axis_index("s")
    wid = s * NSC + c

    cand = (c0_v, c1_v, c2_v, c3_v, c4_v)

    @pl.when(wid < n_img)
    def _():
        img = wid

        def chunk_body(ch, cnt):
            pltpu.sync_copy(staged_ref.at[img, ch], stage_v)

            def scan_body(q, cnt):
                sc = stage_v[0, pl.ds(q * LANES, LANES)]
                msk = sc > 0.5
                nh = jnp.sum(msk.astype(jnp.int32))

                def do(cc):
                    for f in range(5):
                        plsc.store_compressed(
                            cand[f].at[pl.ds(cc, LANES)],
                            stage_v[f, pl.ds(q * LANES, LANES)], mask=msk)
                    return cc + nh

                return jax.lax.cond(nh > 0, do, lambda cc: cc, cnt)

            return jax.lax.fori_loop(0, CHUNK // LANES, scan_body, cnt)

        cnt = jax.lax.fori_loop(0, chunks, chunk_body, jnp.int32(0))

        c0_v[pl.ds(cnt, LANES)] = jnp.full((LANES,), NEG, jnp.float32)
        nch = (cnt + LANES - 1) // LANES
        lanes = jax.lax.iota(jnp.int32, LANES)

        def amax(q, bm):
            return jnp.maximum(bm, jnp.max(c0_v[pl.ds(q * LANES, LANES)]))

        m0 = jax.lax.fori_loop(0, nch, amax, jnp.float32(NEG))

        def w_cond(st):
            return st[0] > 0.5

        def w_body(st):
            m, b_iou, b_conf = st

            def locate(q, fq):
                v = c0_v[pl.ds(q * LANES, LANES)]
                has = jnp.sum((v == m).astype(jnp.int32)) > 0
                return jnp.where((fq < 0) & has, q, fq)

            bq = jax.lax.fori_loop(0, nch, locate, jnp.int32(-1))
            v = c0_v[pl.ds(bq * LANES, LANES)]
            lsel = jnp.min(jnp.where(v == m, lanes, jnp.int32(LANES)))
            onehot = lanes == lsel

            def pick(f):
                vf = cand[f][pl.ds(bq * LANES, LANES)]
                return jnp.sum(jnp.where(onehot, vf, 0.0))

            sx1 = pick(1)
            sy1 = pick(2)
            sx2 = pick(3)
            sy2 = pick(4)
            a_star = (sx2 - sx1) * (sy2 - sy1)
            tw = jnp.maximum(jnp.minimum(sx2, TX2) - jnp.maximum(sx1, TX1), 0.0)
            th = jnp.maximum(jnp.minimum(sy2, TY2) - jnp.maximum(sy1, TY1), 0.0)
            ti = tw * th
            iou_t = jnp.max(jnp.full((LANES,), ti, jnp.float32)
                            / jnp.full((LANES,), a_star + T_AREA - ti,
                                       jnp.float32))
            upd = iou_t > b_iou
            b_iou = jnp.where(upd, iou_t, b_iou)
            b_conf = jnp.where(upd, m, b_conf)

            def suppress(q, nm):
                scv = c0_v[pl.ds(q * LANES, LANES)]
                x1v = c1_v[pl.ds(q * LANES, LANES)]
                y1v = c2_v[pl.ds(q * LANES, LANES)]
                x2v = c3_v[pl.ds(q * LANES, LANES)]
                y2v = c4_v[pl.ds(q * LANES, LANES)]
                iw = jnp.maximum(
                    jnp.minimum(sx2, x2v) - jnp.maximum(sx1, x1v), 0.0)
                ih = jnp.maximum(
                    jnp.minimum(sy2, y2v) - jnp.maximum(sy1, y1v), 0.0)
                inter = iw * ih
                areav = (x2v - x1v) * (y2v - y1v)
                iou = inter / (a_star + areav - inter)
                kill = (iou > IOU_T) | ((q == bq) & onehot)
                new = jnp.where(kill, NEG, scv)
                c0_v[pl.ds(q * LANES, LANES)] = new
                return jnp.maximum(nm, jnp.max(new))

            m2 = jax.lax.fori_loop(0, nch, suppress, jnp.float32(NEG))
            return m2, b_iou, b_conf

        _, b_iou, b_conf = jax.lax.while_loop(
            w_cond, w_body, (m0, jnp.float32(-1.0), jnp.float32(0.0)))
        result = jnp.where(b_iou >= 0.0, b_conf * b_iou, jnp.float32(0.0))
        obuf_v[...] = jnp.full((LANES,), result, jnp.float32)
        pltpu.sync_copy(obuf_v, out_ref.at[img])


def kernel(x):
    xs = x[0]
    n_img, n_rows, _ = xs.shape
    chunks = (n_rows + CHUNK - 1) // CHUNK
    steps1 = (n_rows + CHUNK1 - 1) // CHUNK1
    cand_cap = chunks * CHUNK + LANES

    staged = pl.pallas_call(
        functools.partial(_stage1, n_rows=n_rows),
        grid=(n_img, steps1),
        in_specs=[pl.BlockSpec((1, CHUNK1, 85), lambda i, j: (i, j, 0))],
        out_specs=pl.BlockSpec((1, CHUNK1 // CHUNK, 5, CHUNK),
                               lambda i, j: (i, j, 0, 0)),
        out_shape=jax.ShapeDtypeStruct((n_img, chunks, 5, CHUNK), jnp.float32),
        compiler_params=pltpu.CompilerParams(
            dimension_semantics=("parallel", "parallel")),
        interpret=False,
    )(xs)

    res = pl.kernel(
        functools.partial(_stage2_sc, n_img=n_img, chunks=chunks),
        out_type=jax.ShapeDtypeStruct((n_img, LANES), jnp.float32),
        mesh=plsc.VectorSubcoreMesh(core_axis_name="c", subcore_axis_name="s",
                                    num_cores=NSC, num_subcores=16),
        scratch_types=(
            [pltpu.VMEM((5, CHUNK), jnp.float32)]
            + [pltpu.VMEM((cand_cap,), jnp.float32) for _ in range(5)]
            + [pltpu.VMEM((LANES,), jnp.float32)]
        ),
        compiler_params=pltpu.CompilerParams(needs_layout_passes=False),
        interpret=False,
    )(staged)

    return res[:, 0]

# --- scband reference (transcript-rebuilt; emitter-appended) ---
"""Pipeline reference for scband-od2-score-57346403336462 (READ-ONLY COPY).

The authoritative reference and input builder live on the scoring server;
editing this copy changes nothing except your own understanding.
"""

import jax, jax.numpy as jnp
import numpy as np

CONF_THRESH = 0.9
IOU_THRESH = 0.5
TARGET = np.array([0.3, 0.3, 0.7, 0.7, 0.9, 0.0], dtype=np.float32)
MAX_WH = 4096.0


def xywh2xyxy_np(x):
    y = np.copy(x)
    y[:, 0] = x[:, 0] - x[:, 2] / 2
    y[:, 1] = x[:, 1] - x[:, 3] / 2
    y[:, 2] = x[:, 0] + x[:, 2] / 2
    y[:, 3] = x[:, 1] + x[:, 3] / 2
    return y


def box_iou_np(b1, b2):
    area1 = (b1[:, 2] - b1[:, 0]) * (b1[:, 3] - b1[:, 1])
    area2 = (b2[:, 2] - b2[:, 0]) * (b2[:, 3] - b2[:, 1])
    lt = np.maximum(b1[:, None, :2], b2[None, :, :2])
    rb = np.minimum(b1[:, None, 2:], b2[None, :, 2:])
    wh = np.clip(rb - lt, 0.0, None)
    inter = wh[..., 0] * wh[..., 1]
    return inter / (area1[:, None] + area2[None, :] - inter)


def nms_greedy(boxes, scores, iou_thres):
    order = np.argsort(-scores)
    keep = []
    while order.size > 0:
        i = order[0]
        keep.append(i)
        if order.size == 1:
            break
        ious = box_iou_np(boxes[i:i + 1], boxes[order[1:]])[0]
        order = order[1:][ious <= iou_thres]
    return np.array(keep, dtype=np.int64)


def non_max_suppression(pred, conf_thres, iou_thres):
    x = pred[0]
    x = x[x[:, 4] > conf_thres]
    if x.shape[0] == 0:
        return [None]
    cls = x[:, 5:] * x[:, 4:5]
    box = xywh2xyxy_np(x[:, :4])
    conf = cls.max(1)
    j = cls.argmax(1)
    det = np.concatenate([box, conf[:, None], j[:, None].astype(np.float32)], 1)
    det = det[conf > conf_thres]
    if det.shape[0] == 0:
        return [None]
    c = det[:, 5:6] * MAX_WH
    keep = nms_greedy(det[:, :4] + c, det[:, 4], iou_thres)
    return [det[keep]]


def setup_inputs(seed: int = 0):
    key = jax.random.key(seed)
    x = jax.random.uniform(key, (1, 8, 20000, 85), dtype=jnp.float32)
    return {"x": x}


def reference(x):
    target = jnp.asarray(TARGET)

    def _score_one(img):
        N = img.shape[0]
        obj = img[:, 4]
        cls = img[:, 5:] * img[:, 4:5]
        conf = jnp.max(cls, axis=1)
        j = jnp.argmax(cls, axis=1).astype(jnp.float32)
        box = jnp.stack([
            img[:, 0] - img[:, 2] / 2,
            img[:, 1] - img[:, 3] / 2,
            img[:, 0] + img[:, 2] / 2,
            img[:, 1] + img[:, 3] / 2,
        ], axis=1)
        valid = (obj > CONF_THRESH) & (conf > CONF_THRESH)
        scores = jnp.where(valid, conf, -jnp.inf)
        order = jnp.argsort(-scores)
        box_s = box[order]
        conf_s = conf[order]
        j_s = j[order]
        valid_s = valid[order]
        nms_box = box_s + j_s[:, None] * MAX_WH
        area = (nms_box[:, 2] - nms_box[:, 0]) * (nms_box[:, 3] - nms_box[:, 1])
        idxs = jnp.arange(N)

        def body(i, active):
            cur = active[i]
            lt = jnp.maximum(nms_box[i, :2], nms_box[:, :2])
            rb = jnp.minimum(nms_box[i, 2:], nms_box[:, 2:])
            wh = jnp.maximum(rb - lt, 0.0)
            inter = wh[:, 0] * wh[:, 1]
            iou = inter / (area[i] + area - inter)
            suppress = cur & (iou > IOU_THRESH) & (idxs > i)
            return active & ~suppress

        keep = jax.lax.fori_loop(0, N, body, valid_s)
        sel = keep & (j_s == target[5])
        lt = jnp.maximum(box_s[:, :2], target[:2])
        rb = jnp.minimum(box_s[:, 2:], target[2:4])
        wh = jnp.maximum(rb - lt, 0.0)
        inter = wh[:, 0] * wh[:, 1]
        area_b = (box_s[:, 2] - box_s[:, 0]) * (box_s[:, 3] - box_s[:, 1])
        area_t = (target[2] - target[0]) * (target[3] - target[1])
        iou_t = inter / (area_b + area_t - inter)
        masked = jnp.where(sel, iou_t, -jnp.inf)
        bi = jnp.argmax(masked)
        return jnp.where(jnp.any(sel), conf_s[bi] * masked[bi], jnp.float32(0.0))

    return jax.vmap(_score_one)(x[0])

if __name__ == "__main__":
    import jax
    _d = setup_inputs()
    print(jax.jit(kernel)(*tuple(_d.values())))

</pallas_src>

<mosaic_0001>
#map = affine_map<(d0, d1) -> (0, 0, 0, 0)>
#map1 = affine_map<(d0, d1) -> (0, 0)>
module attributes {stable_mosaic.version = 14 : i64} {
  func.func @_stage2_sc(%arg0: i32, %arg1: i32, %arg2: memref<8x8x5x2560xf32, #tpu.memory_space<hbm>>, %arg3: memref<8x16xf32, #tpu.memory_space<hbm>>, %arg4: memref<5x2560xf32, #tpu.memory_space<vmem>>, %arg5: memref<20496xf32, #tpu.memory_space<vmem>>, %arg6: memref<20496xf32, #tpu.memory_space<vmem>>, %arg7: memref<20496xf32, #tpu.memory_space<vmem>>, %arg8: memref<20496xf32, #tpu.memory_space<vmem>>, %arg9: memref<20496xf32, #tpu.memory_space<vmem>>, %arg10: memref<16xf32, #tpu.memory_space<vmem>>) attributes {dimension_semantics = [#tpu.dimension_semantics<core_parallel>, #tpu.dimension_semantics<subcore_parallel>], iteration_bounds = array<i64: 2, 16>, scalar_prefetch = 0 : i64, scratch_operands = 7 : i64, tpu.core_type = #tpu.core_type<sc_vector_subcore>, window_params = [{transform_indices = #map}, {transform_indices = #map1}]} {
    %mul3A = arith.constant 2 : i32
    %mul3A_0 = arith.muli %arg1, %mul3A : i32
    %add3A = arith.addi %mul3A_0, %arg0 : i32
    %lt3A = arith.constant 8 : i32
    %lt3A_1 = arith.cmpi slt, %add3A, %lt3A : i32
    %convert_element_type3A = arith.extui %lt3A_1 : i1 to i32
    %cond3A = arith.constant 0 : i32
    %cond3A_2 = arith.cmpi ne, %convert_element_type3A, %cond3A : i32
    scf.if %cond3A_2 {
      %scan3A = arith.constant 0 : i32
      %scan3A_3 = arith.constant 0 : i32
      %scan3A_4 = arith.constant 8 : i32
      %scan3A_5 = arith.addi %scan3A_3, %scan3A_4 : i32
      %scan3A_6 = arith.constant 1 : i32
      %scan3A_7 = scf.for %scan3A_52 = %scan3A_3 to %scan3A_5 step %scan3A_6 iter_args(%scan3A_53 = %scan3A) -> (i32)  : i32 {
        "tpu.region"() ({
          %run_scoped3A = tpu.sem_alloc : memref<!tpu.dma_semaphore, #tpu.memory_space<semaphore_mem>>
          %dma_start3A = arith.constant 0 : i32
          %dma_start3A_60 = arith.constant 0 : i32
          %dma_start3A_61 = tpu.memref_slice %arg2[%add3A, %scan3A_52, %dma_start3A, %dma_start3A_60] : memref<8x8x5x2560xf32, #tpu.memory_space<hbm>> -> memref<1x1x5x2560xf32, #tpu.memory_space<hbm>>
          %dma_start3A_62 = tpu.memref_squeeze %dma_start3A_61 : memref<1x1x5x2560xf32, #tpu.memory_space<hbm>> -> memref<5x2560xf32, #tpu.memory_space<hbm>>
          %dma_start3A_63 = arith.constant 0 : i32
          %dma_start3A_64 = arith.constant 0 : i32
          %dma_start3A_65 = tpu.memref_slice %arg2[%add3A, %scan3A_52, %dma_start3A_63, %dma_start3A_64] : memref<8x8x5x2560xf32, #tpu.memory_space<hbm>> -> memref<1x1x5x2560xf32, #tpu.memory_space<hbm>>
          %dma_start3A_66 = tpu.memref_squeeze %dma_start3A_65 : memref<1x1x5x2560xf32, #tpu.memory_space<hbm>> -> memref<5x2560xf32, #tpu.memory_space<hbm>>
          tpu.enqueue_dma source(%dma_start3A_66 : memref<5x2560xf32, #tpu.memory_space<hbm>>) target(%arg4 : memref<5x2560xf32, #tpu.memory_space<vmem>>) target_semaphore(%run_scoped3A : memref<!tpu.dma_semaphore, #tpu.memory_space<semaphore_mem>>)
          %dma_wait3A = arith.constant 0 : i32
          %dma_wait3A_67 = arith.constant 0 : i32
          %dma_wait3A_68 = tpu.memref_slice %arg2[%add3A, %scan3A_52, %dma_wait3A, %dma_wait3A_67] : memref<8x8x5x2560xf32, #tpu.memory_space<hbm>> -> memref<1x1x5x2560xf32, #tpu.memory_space<hbm>>
          %dma_wait3A_69 = tpu.memref_squeeze %dma_wait3A_68 : memref<1x1x5x2560xf32, #tpu.memory_space<hbm>> -> memref<5x2560xf32, #tpu.memory_space<hbm>>
          %dma_wait3A_70 = arith.constant 0 : i32
          %dma_wait3A_71 = arith.constant 0 : i32
          %dma_wait3A_72 = tpu.memref_slice %arg2[%add3A, %scan3A_52, %dma_wait3A_70, %dma_wait3A_71] : memref<8x8x5x2560xf32, #tpu.memory_space<hbm>> -> memref<1x1x5x2560xf32, #tpu.memory_space<hbm>>
          %dma_wait3A_73 = tpu.memref_squeeze %dma_wait3A_72 : memref<1x1x5x2560xf32, #tpu.memory_space<hbm>> -> memref<5x2560xf32, #tpu.memory_space<hbm>>
          tpu.wait_dma2 semaphore(%run_scoped3A : memref<!tpu.dma_semaphore, #tpu.memory_space<semaphore_mem>>) src(%dma_wait3A_73 : memref<5x2560xf32, #tpu.memory_space<hbm>>) dst(%arg4 : memref<5x2560xf32, #tpu.memory_space<vmem>>)
          tpu.yield
        }) : () -> ()
        %scan3A_54 = arith.constant 0 : i32
        %scan3A_55 = arith.constant 160 : i32
        %scan3A_56 = arith.addi %scan3A_54, %scan3A_55 : i32
        %scan3A_57 = arith.constant 1 : i32
        %scan3A_58 = scf.for %scan3A_60 = %scan3A_54 to %scan3A_56 step %scan3A_57 iter_args(%scan3A_61 = %scan3A_53) -> (i32)  : i32 {
          %mul3A_62 = arith.constant 16 : i32
          %mul3A_63 = arith.muli %scan3A_60, %mul3A_62 : i32
          %get3A = arith.constant 0 : i32
          %get3A_64 = arith.index_cast %get3A : i32 to index
          %get3A_65 = arith.index_cast %mul3A_63 : i32 to index
          %get3A_66 = tpu.vector_load %arg4[%get3A_64, %get3A_65] {strides = array<i32>} : memref<5x2560xf32, #tpu.memory_space<vmem>>, vector<16xf32>,
          %gt3A = arith.constant 5.000000e-01 : f32
          %gt3A_67 = vector.broadcast %gt3A : f32 to vector<16xf32>
          %gt3A_68 = arith.cmpf ogt, %get3A_66, %gt3A_67 : vector<16xf32>
          %convert_element_type3A_69 = arith.extui %gt3A_68 : vector<16xi1> to vector<16xi32>
          %reduce_sum3A = arith.constant true
          %reduce_sum3A_70 = vector.broadcast %reduce_sum3A : i1 to vector<16xi1>
          %reduce_sum3A_71 = tpu.scan <sum>, %convert_element_type3A_69 masked %reduce_sum3A_70 : vector<16xi32>, vector<16xi1> -> vector<16xi32>
          %reduce_sum3A_72 = vector.extract %reduce_sum3A_71[15] : i32 from vector<16xi32>
          %gt3A_73 = arith.constant 0 : i32
          %gt3A_74 = arith.cmpi sgt, %reduce_sum3A_72, %gt3A_73 : i32
          %convert_element_type3A_75 = arith.extui %gt3A_74 : i1 to i32
          %cond3A_76 = arith.constant 0 : i32
          %cond3A_77 = arith.cmpi ne, %convert_element_type3A_75, %cond3A_76 : i32
          %cond3A_78 = scf.if %cond3A_77 -> (i32) {
            %mul3A_79 = arith.constant 16 : i32
            %mul3A_80 = arith.muli %scan3A_60, %mul3A_79 : i32
            %get3A_81 = arith.constant 0 : i32
            %get3A_82 = arith.index_cast %get3A_81 : i32 to index
            %get3A_83 = arith.index_cast %mul3A_80 : i32 to index
            %get3A_84 = tpu.vector_load %arg4[%get3A_82, %get3A_83] {strides = array<i32>} : memref<5x2560xf32, #tpu.memory_space<vmem>>, vector<16xf32>,
            %swap3A_85 = arith.index_cast %scan3A_61 : i32 to index
            %swap3A_86 = tpu.vector_load %arg5[%swap3A_85] masked %gt3A_68 {strides = array<i32>} : memref<20496xf32, #tpu.memory_space<vmem>>, vector<16xf32>, vector<16xi1>
            tpu.vector_store %arg5[%swap3A_85], %get3A_84 masked %gt3A_68 {strides = array<i32>} : memref<20496xf32, #tpu.memory_space<vmem>>, vector<16xf32>, vector<16xi1>
            %mul3A_87 = arith.constant 16 : i32
            %mul3A_88 = arith.muli %scan3A_60, %mul3A_87 : i32
            %get3A_89 = arith.constant 1 : i32
            %get3A_90 = arith.index_cast %get3A_89 : i32 to index
            %get3A_91 = arith.index_cast %mul3A_88 : i32 to index
            %get3A_92 = tpu.vector_load %arg4[%get3A_90, %get3A_91] {strides = array<i32>} : memref<5x2560xf32, #tpu.memory_space<vmem>>, vector<16xf32>,
            %swap3A_93 = arith.index_cast %scan3A_61 : i32 to index
            %swap3A_94 = tpu.vector_load %arg6[%swap3A_93] masked %gt3A_68 {strides = array<i32>} : memref<20496xf32, #tpu.memory_space<vmem>>, vector<16xf32>, vector<16xi1>
            tpu.vector_store %arg6[%swap3A_93], %get3A_92 masked %gt3A_68 {strides = array<i32>} : memref<20496xf32, #tpu.memory_space<vmem>>, vector<16xf32>, vector<16xi1>
            %mul3A_95 = arith.constant 16 : i32
            %mul3A_96 = arith.muli %scan3A_60, %mul3A_95 : i32
            %get3A_97 = arith.constant 2 : i32
            %get3A_98 = arith.index_cast %get3A_97 : i32 to index
            %get3A_99 = arith.index_cast %mul3A_96 : i32 to index
            %get3A_100 = tpu.vector_load %arg4[%get3A_98, %get3A_99] {strides = array<i32>} : memref<5x2560xf32, #tpu.memory_space<vmem>>, vector<16xf32>,
            %swap3A_101 = arith.index_cast %scan3A_61 : i32 to index
            %swap3A_102 = tpu.vector_load %arg7[%swap3A_101] masked %gt3A_68 {strides = array<i32>} : memref<20496xf32, #tpu.memory_space<vmem>>, vector<16xf32>, vector<16xi1>
            tpu.vector_store %arg7[%swap3A_101], %get3A_100 masked %gt3A_68 {strides = array<i32>} : memref<20496xf32, #tpu.memory_space<vmem>>, vector<16xf32>, vector<16xi1>
            %mul3A_103 = arith.constant 16 : i32
            %mul3A_104 = arith.muli %scan3A_60, %mul3A_103 : i32
            %get3A_105 = arith.constant 3 : i32
            %get3A_106 = arith.index_cast %get3A_105 : i32 to index
            %get3A_107 = arith.index_cast %mul3A_104 : i32 to index
            %get3A_108 = tpu.vector_load %arg4[%get3A_106, %get3A_107] {strides = array<i32>} : memref<5x2560xf32, #tpu.memory_space<vmem>>, vector<16xf32>,
            %swap3A_109 = arith.index_cast %scan3A_61 : i32 to index
            %swap3A_110 = tpu.vector_load %arg8[%swap3A_109] masked %gt3A_68 {strides = array<i32>} : memref<20496xf32, #tpu.memory_space<vmem>>, vector<16xf32>, vector<16xi1>
            tpu.vector_store %arg8[%swap3A_109], %get3A_108 masked %gt3A_68 {strides = array<i32>} : memref<20496xf32, #tpu.memory_space<vmem>>, vector<16xf32>, vector<16xi1>
            %mul3A_111 = arith.constant 16 : i32
            %mul3A_112 = arith.muli %scan3A_60, %mul3A_111 : i32
            %get3A_113 = arith.constant 4 : i32
            %get3A_114 = arith.index_cast %get3A_113 : i32 to index
            %get3A_115 = arith.index_cast %mul3A_112 : i32 to index
            %get3A_116 = tpu.vector_load %arg4[%get3A_114, %get3A_115] {strides = array<i32>} : memref<5x2560xf32, #tpu.memory_space<vmem>>, vector<16xf32>,
            %swap3A_117 = arith.index_cast %scan3A_61 : i32 to index
            %swap3A_118 = tpu.vector_load %arg9[%swap3A_117] masked %gt3A_68 {strides = array<i32>} : memref<20496xf32, #tpu.memory_space<vmem>>, vector<16xf32>, vector<16xi1>
            tpu.vector_store %arg9[%swap3A_117], %get3A_116 masked %gt3A_68 {strides = array<i32>} : memref<20496xf32, #tpu.memory_space<vmem>>, vector<16xf32>, vector<16xi1>
            %add3A_119 = arith.addi %scan3A_61, %reduce_sum3A_72 : i32
            scf.yield %add3A_119 : i32
          } else {
            scf.yield %scan3A_61 : i32
          }
          scf.yield %cond3A_78 : i32
        }
        %scan3A_59 = arith.constant 160 : i32
        scf.yield %scan3A_58 : i32
      }
      %scan3A_8 = arith.constant 8 : i32
      %broadcast_in_dim3A = arith.constant 0xFF800000 : f32
      %broadcast_in_dim3A_9 = vector.broadcast %broadcast_in_dim3A : f32 to vector<16xf32>
      %swap3A = arith.index_cast %scan3A_7 : i32 to index
      %swap3A_10 = tpu.vector_load %arg5[%swap3A] {strides = array<i32>} : memref<20496xf32, #tpu.memory_space<vmem>>, vector<16xf32>,
      tpu.vector_store %arg5[%swap3A], %broadcast_in_dim3A_9 {strides = array<i32>} : memref<20496xf32, #tpu.memory_space<vmem>>, vector<16xf32>,
      %add3A_11 = arith.constant 16 : i32
      %add3A_12 = arith.addi %scan3A_7, %add3A_11 : i32
      %sub3A = arith.constant 1 : i32
      %sub3A_13 = arith.subi %add3A_12, %sub3A : i32
      %jit3A = arith.constant 16 : i32
      %div3A = arith.divsi %sub3A_13, %jit3A : i32
      %sign3A = arith.constant 0 : i32
      %sign3A_14 = arith.cmpi sgt, %sub3A_13, %sign3A : i32
      %sign3A_15 = arith.extui %sign3A_14 : i1 to i32
      %sign3A_16 = arith.constant 0 : i32
      %sign3A_17 = arith.cmpi slt, %sub3A_13, %sign3A_16 : i32
      %sign3A_18 = arith.extui %sign3A_17 : i1 to i32
      %sign3A_19 = arith.subi %sign3A_15, %sign3A_18 : i32
      %sign3A_20 = arith.constant 0 : i32
      %sign3A_21 = arith.cmpi sgt, %jit3A, %sign3A_20 : i32
      %sign3A_22 = arith.extui %sign3A_21 : i1 to i32
      %sign3A_23 = arith.constant 0 : i32
      %sign3A_24 = arith.cmpi slt, %jit3A, %sign3A_23 : i32
      %sign3A_25 = arith.extui %sign3A_24 : i1 to i32
      %sign3A_26 = arith.subi %sign3A_22, %sign3A_25 : i32
      %ne3A = arith.cmpi ne, %sign3A_19, %sign3A_26 : i32
      %rem3A = arith.remsi %sub3A_13, %jit3A : i32
      %ne3A_27 = arith.constant 0 : i32
      %ne3A_28 = arith.cmpi ne, %rem3A, %ne3A_27 : i32
      %and3A = arith.andi %ne3A, %ne3A_28 : i1
      %sub3A_29 = arith.constant 1 : i32
      %sub3A_30 = arith.subi %div3A, %sub3A_29 : i32
      %select_n3A = arith.select %and3A, %sub3A_30, %div3A : i32
      %iota3A = tpu.iota {dimensions = array<i32: 0>} : vector<16xi32>
      %while3A = arith.constant 0 : i32
      %while3A_31 = arith.constant 0xFF800000 : f32
      %while3A_32 = arith.subi %select_n3A, %while3A : i32
      %while3A_33 = arith.addi %while3A, %while3A_32 : i32
      %while3A_34 = arith.constant 1 : i32
      %while3A_35 = arith.divsi %while3A_32, %while3A_34 : i32
      %while3A_36 = arith.muli %while3A_35, %while3A_34 : i32
      %while3A_37 = arith.addi %while3A, %while3A_36 : i32
      %while3A_38 = arith.constant 1 : i32
      %while3A_39 = scf.for %while3A_52 = %while3A to %while3A_37 step %while3A_38 iter_args(%while3A_53 = %while3A_31) -> (f32)  : i32 {
        %mul3A_54 = arith.constant 16 : i32
        %mul3A_55 = arith.muli %while3A_52, %mul3A_54 : i32
        %get3A = arith.index_cast %mul3A_55 : i32 to index
        %get3A_56 = tpu.vector_load %arg5[%get3A] {strides = array<i32>} : memref<20496xf32, #tpu.memory_space<vmem>>, vector<16xf32>,
        %reduce_max3A = arith.constant true
        %reduce_max3A_57 = vector.broadcast %reduce_max3A : i1 to vector<16xi1>
        %reduce_max3A_58 = tpu.scan <max>, %get3A_56 masked %reduce_max3A_57 : vector<16xf32>, vector<16xi1> -> vector<16xf32>
        %reduce_max3A_59 = vector.extract %reduce_max3A_58[15] : f32 from vector<16xf32>
        %max3A = arith.maximumf %while3A_53, %reduce_max3A_59 : f32
        scf.yield %max3A : f32
      }
      %while3A_40 = arith.constant 1 : i32
      %while3A_41 = scf.for %while3A_52 = %while3A_37 to %while3A_33 step %while3A_40 iter_args(%while3A_53 = %while3A_39) -> (f32)  : i32 {
        %mul3A_54 = arith.constant 16 : i32
        %mul3A_55 = arith.muli %while3A_52, %mul3A_54 : i32
        %get3A = arith.index_cast %mul3A_55 : i32 to index
        %get3A_56 = tpu.vector_load %arg5[%get3A] {strides = array<i32>} : memref<20496xf32, #tpu.memory_space<vmem>>, vector<16xf32>,
        %reduce_max3A = arith.constant true
        %reduce_max3A_57 = vector.broadcast %reduce_max3A : i1 to vector<16xi1>
        %reduce_max3A_58 = tpu.scan <max>, %get3A_56 masked %reduce_max3A_57 : vector<16xf32>, vector<16xi1> -> vector<16xf32>
        %reduce_max3A_59 = vector.extract %reduce_max3A_58[15] : f32 from vector<16xf32>
        %max3A = arith.maximumf %while3A_53, %reduce_max3A_59 : f32
        scf.yield %max3A : f32
      }
      %while3A_42 = arith.constant -1.000000e+00 : f32
      %while3A_43 = arith.constant 0.000000e+00 : f32
      %while3A_44:3 = scf.while (%while3A_52 = %while3A_41, %while3A_53 = %while3A_42, %while3A_54 = %while3A_43) : (f32, f32, f32) -> (f32, f32, f32) {
        %gt3A = arith.constant 5.000000e-01 : f32
        %gt3A_55 = arith.cmpf ogt, %while3A_52, %gt3A : f32
        scf.condition(%gt3A_55) %while3A_52, %while3A_53, %while3A_54 : f32, f32, f32
      } do {
      ^bb0(%while3A_52: f32, %while3A_53: f32, %while3A_54: f32):
        %while3A_55 = arith.constant 0 : i32
        %while3A_56 = arith.constant -1 : i32
        %while3A_57 = arith.subi %select_n3A, %while3A_55 : i32
        %while3A_58 = arith.addi %while3A_55, %while3A_57 : i32
        %while3A_59 = arith.constant 1 : i32
        %while3A_60 = arith.divsi %while3A_57, %while3A_59 : i32
        %while3A_61 = arith.muli %while3A_60, %while3A_59 : i32
        %while3A_62 = arith.addi %while3A_55, %while3A_61 : i32
        %while3A_63 = arith.constant 1 : i32
        %while3A_64 = scf.for %while3A_165 = %while3A_55 to %while3A_62 step %while3A_63 iter_args(%while3A_166 = %while3A_56) -> (i32)  : i32 {
          %mul3A_167 = arith.constant 16 : i32
          %mul3A_168 = arith.muli %while3A_165, %mul3A_167 : i32
          %get3A_169 = arith.index_cast %mul3A_168 : i32 to index
          %get3A_170 = tpu.vector_load %arg5[%get3A_169] {strides = array<i32>} : memref<20496xf32, #tpu.memory_space<vmem>>, vector<16xf32>,
          %eq3A_171 = vector.broadcast %while3A_52 : f32 to vector<16xf32>
          %eq3A_172 = arith.cmpf oeq, %get3A_170, %eq3A_171 : vector<16xf32>
          %convert_element_type3A_173 = arith.extui %eq3A_172 : vector<16xi1> to vector<16xi32>
          %reduce_sum3A_174 = arith.constant true
          %reduce_sum3A_175 = vector.broadcast %reduce_sum3A_174 : i1 to vector<16xi1>
          %reduce_sum3A_176 = tpu.scan <sum>, %convert_element_type3A_173 masked %reduce_sum3A_175 : vector<16xi32>, vector<16xi1> -> vector<16xi32>
          %reduce_sum3A_177 = vector.extract %reduce_sum3A_176[15] : i32 from vector<16xi32>
          %gt3A_178 = arith.constant 0 : i32
          %gt3A_179 = arith.cmpi sgt, %reduce_sum3A_177, %gt3A_178 : i32
          %lt3A_180 = arith.constant 0 : i32
          %lt3A_181 = arith.cmpi slt, %while3A_166, %lt3A_180 : i32
          %and3A_182 = arith.andi %lt3A_181, %gt3A_179 : i1
          %select_n3A_183 = arith.select %and3A_182, %while3A_165, %while3A_166 : i32
          scf.yield %select_n3A_183 : i32
        }
        %while3A_65 = arith.constant 1 : i32
        %while3A_66 = scf.for %while3A_165 = %while3A_62 to %while3A_58 step %while3A_65 iter_args(%while3A_166 = %while3A_64) -> (i32)  : i32 {
          %mul3A_167 = arith.constant 16 : i32
          %mul3A_168 = arith.muli %while3A_165, %mul3A_167 : i32
          %get3A_169 = arith.index_cast %mul3A_168 : i32 to index
          %get3A_170 = tpu.vector_load %arg5[%get3A_169] {strides = array<i32>} : memref<20496xf32, #tpu.memory_space<vmem>>, vector<16xf32>,
          %eq3A_171 = vector.broadcast %while3A_52 : f32 to vector<16xf32>
          %eq3A_172 = arith.cmpf oeq, %get3A_170, %eq3A_171 : vector<16xf32>
          %convert_element_type3A_173 = arith.extui %eq3A_172 : vector<16xi1> to vector<16xi32>
          %reduce_sum3A_174 = arith.constant true
          %reduce_sum3A_175 = vector.broadcast %reduce_sum3A_174 : i1 to vector<16xi1>
          %reduce_sum3A_176 = tpu.scan <sum>, %convert_element_type3A_173 masked %reduce_sum3A_175 : vector<16xi32>, vector<16xi1> -> vector<16xi32>
          %reduce_sum3A_177 = vector.extract %reduce_sum3A_176[15] : i32 from vector<16xi32>
          %gt3A_178 = arith.constant 0 : i32
          %gt3A_179 = arith.cmpi sgt, %reduce_sum3A_177, %gt3A_178 : i32
          %lt3A_180 = arith.constant 0 : i32
          %lt3A_181 = arith.cmpi slt, %while3A_166, %lt3A_180 : i32
          %and3A_182 = arith.andi %lt3A_181, %gt3A_179 : i1
          %select_n3A_183 = arith.select %and3A_182, %while3A_165, %while3A_166 : i32
          scf.yield %select_n3A_183 : i32
        }
        %mul3A_67 = arith.constant 16 : i32
        %mul3A_68 = arith.muli %while3A_66, %mul3A_67 : i32
        %get3A = arith.index_cast %mul3A_68 : i32 to index
        %get3A_69 = tpu.vector_load %arg5[%get3A] {strides = array<i32>} : memref<20496xf32, #tpu.memory_space<vmem>>, vector<16xf32>,
        %eq3A = vector.broadcast %while3A_52 : f32 to vector<16xf32>
        %eq3A_70 = arith.cmpf oeq, %get3A_69, %eq3A : vector<16xf32>
        %jit3A_71 = arith.constant 16 : i32
        %broadcast_in_dim3A_72 = vector.broadcast %jit3A_71 : i32 to vector<16xi32>
        %select_n3A_73 = arith.select %eq3A_70, %iota3A, %broadcast_in_dim3A_72 : vector<16xi1>, vector<16xi32>
        %reduce_min3A = arith.constant true
        %reduce_min3A_74 = vector.broadcast %reduce_min3A : i1 to vector<16xi1>
        %reduce_min3A_75 = arith.constant -2147483648 : i32
        %reduce_min3A_76 = vector.broadcast %reduce_min3A_75 : i32 to vector<16xi32>
        %reduce_min3A_77 = arith.xori %select_n3A_73, %reduce_min3A_76 : vector<16xi32>
        %reduce_min3A_78 = tpu.scan <min>, %reduce_min3A_77 masked %reduce_min3A_74 : vector<16xi32>, vector<16xi1> -> vector<16xi32>
        %reduce_min3A_79 = arith.xori %reduce_min3A_78, %reduce_min3A_76 : vector<16xi32>
        %reduce_min3A_80 = vector.extract %reduce_min3A_79[15] : i32 from vector<16xi32>
        %eq3A_81 = vector.broadcast %reduce_min3A_80 : i32 to vector<16xi32>
        %eq3A_82 = arith.cmpi eq, %iota3A, %eq3A_81 : vector<16xi32>
        %mul3A_83 = arith.constant 16 : i32
        %mul3A_84 = arith.muli %while3A_66, %mul3A_83 : i32
        %get3A_85 = arith.index_cast %mul3A_84 : i32 to index
        %get3A_86 = tpu.vector_load %arg6[%get3A_85] {strides = array<i32>} : memref<20496xf32, #tpu.memory_space<vmem>>, vector<16xf32>,
        %jit3A_87 = arith.constant 0.000000e+00 : f32
        %broadcast_in_dim3A_88 = vector.broadcast %jit3A_87 : f32 to vector<16xf32>
        %select_n3A_89 = arith.select %eq3A_82, %get3A_86, %broadcast_in_dim3A_88 : vector<16xi1>, vector<16xf32>
        %reduce_sum3A = arith.constant true
        %reduce_sum3A_90 = vector.broadcast %reduce_sum3A : i1 to vector<16xi1>
        %reduce_sum3A_91 = tpu.scan <sum>, %select_n3A_89 masked %reduce_sum3A_90 : vector<16xf32>, vector<16xi1> -> vector<16xf32>
        %reduce_sum3A_92 = vector.extract %reduce_sum3A_91[15] : f32 from vector<16xf32>
        %mul3A_93 = arith.constant 16 : i32
        %mul3A_94 = arith.muli %while3A_66, %mul3A_93 : i32
        %get3A_95 = arith.index_cast %mul3A_94 : i32 to index
        %get3A_96 = tpu.vector_load %arg7[%get3A_95] {strides = array<i32>} : memref<20496xf32, #tpu.memory_space<vmem>>, vector<16xf32>,
        %jit3A_97 = arith.constant 0.000000e+00 : f32
        %broadcast_in_dim3A_98 = vector.broadcast %jit3A_97 : f32 to vector<16xf32>
        %select_n3A_99 = arith.select %eq3A_82, %get3A_96, %broadcast_in_dim3A_98 : vector<16xi1>, vector<16xf32>
        %reduce_sum3A_100 = arith.constant true
        %reduce_sum3A_101 = vector.broadcast %reduce_sum3A_100 : i1 to vector<16xi1>
        %reduce_sum3A_102 = tpu.scan <sum>, %select_n3A_99 masked %reduce_sum3A_101 : vector<16xf32>, vector<16xi1> -> vector<16xf32>
        %reduce_sum3A_103 = vector.extract %reduce_sum3A_102[15] : f32 from vector<16xf32>
        %mul3A_104 = arith.constant 16 : i32
        %mul3A_105 = arith.muli %while3A_66, %mul3A_104 : i32
        %get3A_106 = arith.index_cast %mul3A_105 : i32 to index
        %get3A_107 = tpu.vector_load %arg8[%get3A_106] {strides = array<i32>} : memref<20496xf32, #tpu.memory_space<vmem>>, vector<16xf32>,
        %jit3A_108 = arith.constant 0.000000e+00 : f32
        %broadcast_in_dim3A_109 = vector.broadcast %jit3A_108 : f32 to vector<16xf32>
        %select_n3A_110 = arith.select %eq3A_82, %get3A_107, %broadcast_in_dim3A_109 : vector<16xi1>, vector<16xf32>
        %reduce_sum3A_111 = arith.constant true
        %reduce_sum3A_112 = vector.broadcast %reduce_sum3A_111 : i1 to vector<16xi1>
        %reduce_sum3A_113 = tpu.scan <sum>, %select_n3A_110 masked %reduce_sum3A_112 : vector<16xf32>, vector<16xi1> -> vector<16xf32>
        %reduce_sum3A_114 = vector.extract %reduce_sum3A_113[15] : f32 from vector<16xf32>
        %mul3A_115 = arith.constant 16 : i32
        %mul3A_116 = arith.muli %while3A_66, %mul3A_115 : i32
        %get3A_117 = arith.index_cast %mul3A_116 : i32 to index
        %get3A_118 = tpu.vector_load %arg9[%get3A_117] {strides = array<i32>} : memref<20496xf32, #tpu.memory_space<vmem>>, vector<16xf32>,
        %jit3A_119 = arith.constant 0.000000e+00 : f32
        %broadcast_in_dim3A_120 = vector.broadcast %jit3A_119 : f32 to vector<16xf32>
        %select_n3A_121 = arith.select %eq3A_82, %get3A_118, %broadcast_in_dim3A_120 : vector<16xi1>, vector<16xf32>
        %reduce_sum3A_122 = arith.constant true
        %reduce_sum3A_123 = vector.broadcast %reduce_sum3A_122 : i1 to vector<16xi1>
        %reduce_sum3A_124 = tpu.scan <sum>, %select_n3A_121 masked %reduce_sum3A_123 : vector<16xf32>, vector<16xi1> -> vector<16xf32>
        %reduce_sum3A_125 = vector.extract %reduce_sum3A_124[15] : f32 from vector<16xf32>
        %sub3A_126 = arith.subf %reduce_sum3A_114, %reduce_sum3A_92 : f32
        %sub3A_127 = arith.subf %reduce_sum3A_125, %reduce_sum3A_103 : f32
        %mul3A_128 = arith.mulf %sub3A_126, %sub3A_127 : f32
        %min3A = arith.constant 0.699999988 : f32
        %min3A_129 = arith.minimumf %reduce_sum3A_114, %min3A : f32
        %max3A = arith.constant 3.000000e-01 : f32
        %max3A_130 = arith.maximumf %reduce_sum3A_92, %max3A : f32
        %sub3A_131 = arith.subf %min3A_129, %max3A_130 : f32
        %max3A_132 = arith.constant 0.000000e+00 : f32
        %max3A_133 = arith.maximumf %sub3A_131, %max3A_132 : f32
        %min3A_134 = arith.constant 0.699999988 : f32
        %min3A_135 = arith.minimumf %reduce_sum3A_125, %min3A_134 : f32
        %max3A_136 = arith.constant 3.000000e-01 : f32
        %max3A_137 = arith.maximumf %reduce_sum3A_103, %max3A_136 : f32
        %sub3A_138 = arith.subf %min3A_135, %max3A_137 : f32
        %max3A_139 = arith.constant 0.000000e+00 : f32
        %max3A_140 = arith.maximumf %sub3A_138, %max3A_139 : f32
        %mul3A_141 = arith.mulf %max3A_133, %max3A_140 : f32
        %broadcast_in_dim3A_142 = vector.broadcast %mul3A_141 : f32 to vector<16xf32>
        %add3A_143 = arith.constant 1.600000e-01 : f32
        %add3A_144 = arith.addf %mul3A_128, %add3A_143 : f32
        %sub3A_145 = arith.subf %add3A_144, %mul3A_141 : f32
        %broadcast_in_dim3A_146 = vector.broadcast %sub3A_145 : f32 to vector<16xf32>
        %div3A_147 = arith.divf %broadcast_in_dim3A_142, %broadcast_in_dim3A_146 : vector<16xf32>
        %reduce_max3A = arith.constant true
        %reduce_max3A_148 = vector.broadcast %reduce_max3A : i1 to vector<16xi1>
        %reduce_max3A_149 = tpu.scan <max>, %div3A_147 masked %reduce_max3A_148 : vector<16xf32>, vector<16xi1> -> vector<16xf32>
        %reduce_max3A_150 = vector.extract %reduce_max3A_149[15] : f32 from vector<16xf32>
        %gt3A = arith.cmpf ogt, %reduce_max3A_150, %while3A_53 : f32
        %select_n3A_151 = arith.select %gt3A, %reduce_max3A_150, %while3A_53 : f32
        %select_n3A_152 = arith.select %gt3A, %while3A_52, %while3A_54 : f32
        %while3A_153 = arith.constant 0 : i32
        %while3A_154 = arith.constant 0xFF800000 : f32
        %while3A_155 = arith.subi %select_n3A, %while3A_153 : i32
        %while3A_156 = arith.addi %while3A_153, %while3A_155 : i32
        %while3A_157 = arith.constant 1 : i32
        %while3A_158 = arith.divsi %while3A_155, %while3A_157 : i32
        %while3A_159 = arith.muli %while3A_158, %while3A_157 : i32
        %while3A_160 = arith.addi %while3A_153, %while3A_159 : i32
        %while3A_161 = arith.constant 1 : i32
        %while3A_162 = scf.for %while3A_165 = %while3A_153 to %while3A_160 step %while3A_161 iter_args(%while3A_166 = %while3A_154) -> (f32)  : i32 {
          %mul3A_167 = arith.constant 16 : i32
          %mul3A_168 = arith.muli %while3A_165, %mul3A_167 : i32
          %get3A_169 = arith.index_cast %mul3A_168 : i32 to index
          %get3A_170 = tpu.vector_load %arg5[%get3A_169] {strides = array<i32>} : memref<20496xf32, #tpu.memory_space<vmem>>, vector<16xf32>,
          %mul3A_171 = arith.constant 16 : i32
          %mul3A_172 = arith.muli %while3A_165, %mul3A_171 : i32
          %get3A_173 = arith.index_cast %mul3A_172 : i32 to index
          %get3A_174 = tpu.vector_load %arg6[%get3A_173] {strides = array<i32>} : memref<20496xf32, #tpu.memory_space<vmem>>, vector<16xf32>,
          %mul3A_175 = arith.constant 16 : i32
          %mul3A_176 = arith.muli %while3A_165, %mul3A_175 : i32
          %get3A_177 = arith.index_cast %mul3A_176 : i32 to index
          %get3A_178 = tpu.vector_load %arg7[%get3A_177] {strides = array<i32>} : memref<20496xf32, #tpu.memory_space<vmem>>, vector<16xf32>,
          %mul3A_179 = arith.constant 16 : i32
          %mul3A_180 = arith.muli %while3A_165, %mul3A_179 : i32
          %get3A_181 = arith.index_cast %mul3A_180 : i32 to index
          %get3A_182 = tpu.vector_load %arg8[%get3A_181] {strides = array<i32>} : memref<20496xf32, #tpu.memory_space<vmem>>, vector<16xf32>,
          %mul3A_183 = arith.constant 16 : i32
          %mul3A_184 = arith.muli %while3A_165, %mul3A_183 : i32
          %get3A_185 = arith.index_cast %mul3A_184 : i32 to index
          %get3A_186 = tpu.vector_load %arg9[%get3A_185] {strides = array<i32>} : memref<20496xf32, #tpu.memory_space<vmem>>, vector<16xf32>,
          %min3A_187 = vector.broadcast %reduce_sum3A_114 : f32 to vector<16xf32>
          %min3A_188 = arith.minimumf %min3A_187, %get3A_182 : vector<16xf32>
          %max3A_189 = vector.broadcast %reduce_sum3A_92 : f32 to vector<16xf32>
          %max3A_190 = arith.maximumf %max3A_189, %get3A_174 : vector<16xf32>
          %sub3A_191 = arith.subf %min3A_188, %max3A_190 : vector<16xf32>
          %max3A_192 = arith.constant 0.000000e+00 : f32
          %max3A_193 = vector.broadcast %max3A_192 : f32 to vector<16xf32>
          %max3A_194 = arith.maximumf %sub3A_191, %max3A_193 : vector<16xf32>
          %min3A_195 = vector.broadcast %reduce_sum3A_125 : f32 to vector<16xf32>
          %min3A_196 = arith.minimumf %min3A_195, %get3A_186 : vector<16xf32>
          %max3A_197 = vector.broadcast %reduce_sum3A_103 : f32 to vector<16xf32>
          %max3A_198 = arith.maximumf %max3A_197, %get3A_178 : vector<16xf32>
          %sub3A_199 = arith.subf %min3A_196, %max3A_198 : vector<16xf32>
          %max3A_200 = arith.constant 0.000000e+00 : f32
          %max3A_201 = vector.broadcast %max3A_200 : f32 to vector<16xf32>
          %max3A_202 = arith.maximumf %sub3A_199, %max3A_201 : vector<16xf32>
          %mul3A_203 = arith.mulf %max3A_194, %max3A_202 : vector<16xf32>
          %sub3A_204 = arith.subf %get3A_182, %get3A_174 : vector<16xf32>
          %sub3A_205 = arith.subf %get3A_186, %get3A_178 : vector<16xf32>
          %mul3A_206 = arith.mulf %sub3A_204, %sub3A_205 : vector<16xf32>
          %add3A_207 = vector.broadcast %mul3A_128 : f32 to vector<16xf32>
          %add3A_208 = arith.addf %add3A_207, %mul3A_206 : vector<16xf32>
          %sub3A_209 = arith.subf %add3A_208, %mul3A_203 : vector<16xf32>
          %div3A_210 = arith.divf %mul3A_203, %sub3A_209 : vector<16xf32>
          %gt3A_211 = arith.constant 5.000000e-01 : f32
          %gt3A_212 = vector.broadcast %gt3A_211 : f32 to vector<16xf32>
          %gt3A_213 = arith.cmpf ogt, %div3A_210, %gt3A_212 : vector<16xf32>
          %eq3A_214 = arith.cmpi eq, %while3A_165, %while3A_66 : i32
          %and3A_215 = vector.broadcast %eq3A_214 : i1 to vector<16xi1>
          %and3A_216 = arith.andi %and3A_215, %eq3A_82 : vector<16xi1>
          %or3A = arith.ori %gt3A_213, %and3A_216 : vector<16xi1>
          %jit3A_217 = arith.constant 0xFF800000 : f32
          %broadcast_in_dim3A_218 = vector.broadcast %jit3A_217 : f32 to vector<16xf32>
          %select_n3A_219 = arith.select %or3A, %broadcast_in_dim3A_218, %get3A_170 : vector<16xi1>, vector<16xf32>
          %mul3A_220 = arith.constant 16 : i32
          %mul3A_221 = arith.muli %while3A_165, %mul3A_220 : i32
          %swap3A_222 = arith.index_cast %mul3A_221 : i32 to index
          %swap3A_223 = tpu.vector_load %arg5[%swap3A_222] {strides = array<i32>} : memref<20496xf32, #tpu.memory_space<vmem>>, vector<16xf32>,
          tpu.vector_store %arg5[%swap3A_222], %select_n3A_219 {strides = array<i32>} : memref<20496xf32, #tpu.memory_space<vmem>>, vector<16xf32>,
          %reduce_max3A_224 = arith.constant true
          %reduce_max3A_225 = vector.broadcast %reduce_max3A_224 : i1 to vector<16xi1>
          %reduce_max3A_226 = tpu.scan <max>, %select_n3A_219 masked %reduce_max3A_225 : vector<16xf32>, vector<16xi1> -> vector<16xf32>
          %reduce_max3A_227 = vector.extract %reduce_max3A_226[15] : f32 from vector<16xf32>
          %max3A_228 = arith.maximumf %while3A_166, %reduce_max3A_227 : f32
          scf.yield %max3A_228 : f32
        }
        %while3A_163 = arith.constant 1 : i32
        %while3A_164 = scf.for %while3A_165 = %while3A_160 to %while3A_156 step %while3A_163 iter_args(%while3A_166 = %while3A_162) -> (f32)  : i32 {
          %mul3A_167 = arith.constant 16 : i32
          %mul3A_168 = arith.muli %while3A_165, %mul3A_167 : i32
          %get3A_169 = arith.index_cast %mul3A_168 : i32 to index
          %get3A_170 = tpu.vector_load %arg5[%get3A_169] {strides = array<i32>} : memref<20496xf32, #tpu.memory_space<vmem>>, vector<16xf32>,
          %mul3A_171 = arith.constant 16 : i32
          %mul3A_172 = arith.muli %while3A_165, %mul3A_171 : i32
          %get3A_173 = arith.index_cast %mul3A_172 : i32 to index
          %get3A_174 = tpu.vector_load %arg6[%get3A_173] {strides = array<i32>} : memref<20496xf32, #tpu.memory_space<vmem>>, vector<16xf32>,
          %mul3A_175 = arith.constant 16 : i32
          %mul3A_176 = arith.muli %while3A_165, %mul3A_175 : i32
          %get3A_177 = arith.index_cast %mul3A_176 : i32 to index
          %get3A_178 = tpu.vector_load %arg7[%get3A_177] {strides = array<i32>} : memref<20496xf32, #tpu.memory_space<vmem>>, vector<16xf32>,
          %mul3A_179 = arith.constant 16 : i32
          %mul3A_180 = arith.muli %while3A_165, %mul3A_179 : i32
          %get3A_181 = arith.index_cast %mul3A_180 : i32 to index
          %get3A_182 = tpu.vector_load %arg8[%get3A_181] {strides = array<i32>} : memref<20496xf32, #tpu.memory_space<vmem>>, vector<16xf32>,
          %mul3A_183 = arith.constant 16 : i32
          %mul3A_184 = arith.muli %while3A_165, %mul3A_183 : i32
          %get3A_185 = arith.index_cast %mul3A_184 : i32 to index
          %get3A_186 = tpu.vector_load %arg9[%get3A_185] {strides = array<i32>} : memref<20496xf32, #tpu.memory_space<vmem>>, vector<16xf32>,
          %min3A_187 = vector.broadcast %reduce_sum3A_114 : f32 to vector<16xf32>
          %min3A_188 = arith.minimumf %min3A_187, %get3A_182 : vector<16xf32>
          %max3A_189 = vector.broadcast %reduce_sum3A_92 : f32 to vector<16xf32>
          %max3A_190 = arith.maximumf %max3A_189, %get3A_174 : vector<16xf32>
          %sub3A_191 = arith.subf %min3A_188, %max3A_190 : vector<16xf32>
          %max3A_192 = arith.constant 0.000000e+00 : f32
          %max3A_193 = vector.broadcast %max3A_192 : f32 to vector<16xf32>
          %max3A_194 = arith.maximumf %sub3A_191, %max3A_193 : vector<16xf32>
          %min3A_195 = vector.broadcast %reduce_sum3A_125 : f32 to vector<16xf32>
          %min3A_196 = arith.minimumf %min3A_195, %get3A_186 : vector<16xf32>
          %max3A_197 = vector.broadcast %reduce_sum3A_103 : f32 to vector<16xf32>
          %max3A_198 = arith.maximumf %max3A_197, %get3A_178 : vector<16xf32>
          %sub3A_199 = arith.subf %min3A_196, %max3A_198 : vector<16xf32>
          %max3A_200 = arith.constant 0.000000e+00 : f32
          %max3A_201 = vector.broadcast %max3A_200 : f32 to vector<16xf32>
          %max3A_202 = arith.maximumf %sub3A_199, %max3A_201 : vector<16xf32>
          %mul3A_203 = arith.mulf %max3A_194, %max3A_202 : vector<16xf32>
          %sub3A_204 = arith.subf %get3A_182, %get3A_174 : vector<16xf32>
          %sub3A_205 = arith.subf %get3A_186, %get3A_178 : vector<16xf32>
          %mul3A_206 = arith.mulf %sub3A_204, %sub3A_205 : vector<16xf32>
          %add3A_207 = vector.broadcast %mul3A_128 : f32 to vector<16xf32>
          %add3A_208 = arith.addf %add3A_207, %mul3A_206 : vector<16xf32>
          %sub3A_209 = arith.subf %add3A_208, %mul3A_203 : vector<16xf32>
          %div3A_210 = arith.divf %mul3A_203, %sub3A_209 : vector<16xf32>
          %gt3A_211 = arith.constant 5.000000e-01 : f32
          %gt3A_212 = vector.broadcast %gt3A_211 : f32 to vector<16xf32>
          %gt3A_213 = arith.cmpf ogt, %div3A_210, %gt3A_212 : vector<16xf32>
          %eq3A_214 = arith.cmpi eq, %while3A_165, %while3A_66 : i32
          %and3A_215 = vector.broadcast %eq3A_214 : i1 to vector<16xi1>
          %and3A_216 = arith.andi %and3A_215, %eq3A_82 : vector<16xi1>
          %or3A = arith.ori %gt3A_213, %and3A_216 : vector<16xi1>
          %jit3A_217 = arith.constant 0xFF800000 : f32
          %broadcast_in_dim3A_218 = vector.broadcast %jit3A_217 : f32 to vector<16xf32>
          %select_n3A_219 = arith.select %or3A, %broadcast_in_dim3A_218, %get3A_170 : vector<16xi1>, vector<16xf32>
          %mul3A_220 = arith.constant 16 : i32
          %mul3A_221 = arith.muli %while3A_165, %mul3A_220 : i32
          %swap3A_222 = arith.index_cast %mul3A_221 : i32 to index
          %swap3A_223 = tpu.vector_load %arg5[%swap3A_222] {strides = array<i32>} : memref<20496xf32, #tpu.memory_space<vmem>>, vector<16xf32>,
          tpu.vector_store %arg5[%swap3A_222], %select_n3A_219 {strides = array<i32>} : memref<20496xf32, #tpu.memory_space<vmem>>, vector<16xf32>,
          %reduce_max3A_224 = arith.constant true
          %reduce_max3A_225 = vector.broadcast %reduce_max3A_224 : i1 to vector<16xi1>
          %reduce_max3A_226 = tpu.scan <max>, %select_n3A_219 masked %reduce_max3A_225 : vector<16xf32>, vector<16xi1> -> vector<16xf32>
          %reduce_max3A_227 = vector.extract %reduce_max3A_226[15] : f32 from vector<16xf32>
          %max3A_228 = arith.maximumf %while3A_166, %reduce_max3A_227 : f32
          scf.yield %max3A_228 : f32
        }
        scf.yield %while3A_164, %select_n3A_151, %select_n3A_152 : f32, f32, f32
      }
      %ge3A = arith.constant 0.000000e+00 : f32
      %ge3A_45 = arith.cmpf oge, %while3A_44#1, %ge3A : f32
      %mul3A_46 = arith.mulf %while3A_44#2, %while3A_44#1 : f32
      %jit3A_47 = arith.constant 0.000000e+00 : f32
      %select_n3A_48 = arith.select %ge3A_45, %mul3A_46, %jit3A_47 : f32
      %broadcast_in_dim3A_49 = vector.broadcast %select_n3A_48 : f32 to vector<16xf32>
      %swap3A_50 = arith.constant 0 : index
      %swap3A_51 = tpu.vector_load %arg10[%swap3A_50] {strides = array<i32>} : memref<16xf32, #tpu.memory_space<vmem>>, vector<16xf32>,
      tpu.vector_store %arg10[%swap3A_50], %broadcast_in_dim3A_49 {strides = array<i32>} : memref<16xf32, #tpu.memory_space<vmem>>, vector<16xf32>,
      "tpu.region"() ({
        %run_scoped3A = tpu.sem_alloc : memref<!tpu.dma_semaphore, #tpu.memory_space<semaphore_mem>>
        %dma_start3A = arith.constant 0 : i32
        %dma_start3A_52 = tpu.memref_slice %arg3[%add3A, %dma_start3A] : memref<8x16xf32, #tpu.memory_space<hbm>> -> memref<1x16xf32, #tpu.memory_space<hbm>>
        %dma_start3A_53 = tpu.memref_squeeze %dma_start3A_52 : memref<1x16xf32, #tpu.memory_space<hbm>> -> memref<16xf32, #tpu.memory_space<hbm>>
        %dma_start3A_54 = arith.constant 0 : i32
        %dma_start3A_55 = tpu.memref_slice %arg3[%add3A, %dma_start3A_54] : memref<8x16xf32, #tpu.memory_space<hbm>> -> memref<1x16xf32, #tpu.memory_space<hbm>>
        %dma_start3A_56 = tpu.memref_squeeze %dma_start3A_55 : memref<1x16xf32, #tpu.memory_space<hbm>> -> memref<16xf32, #tpu.memory_space<hbm>>
        tpu.enqueue_dma source(%arg10 : memref<16xf32, #tpu.memory_space<vmem>>) target(%dma_start3A_56 : memref<16xf32, #tpu.memory_space<hbm>>) target_semaphore(%run_scoped3A : memref<!tpu.dma_semaphore, #tpu.memory_space<semaphore_mem>>)
        %dma_wait3A = arith.constant 0 : i32
        %dma_wait3A_57 = tpu.memref_slice %arg3[%add3A, %dma_wait3A] : memref<8x16xf32, #tpu.memory_space<hbm>> -> memref<1x16xf32, #tpu.memory_space<hbm>>
        %dma_wait3A_58 = tpu.memref_squeeze %dma_wait3A_57 : memref<1x16xf32, #tpu.memory_space<hbm>> -> memref<16xf32, #tpu.memory_space<hbm>>
        %dma_wait3A_59 = arith.constant 0 : i32
        %dma_wait3A_60 = tpu.memref_slice %arg3[%add3A, %dma_wait3A_59] : memref<8x16xf32, #tpu.memory_space<hbm>> -> memref<1x16xf32, #tpu.memory_space<hbm>>
        %dma_wait3A_61 = tpu.memref_squeeze %dma_wait3A_60 : memref<1x16xf32, #tpu.memory_space<hbm>> -> memref<16xf32, #tpu.memory_space<hbm>>
        tpu.wait_dma2 semaphore(%run_scoped3A : memref<!tpu.dma_semaphore, #tpu.memory_space<semaphore_mem>>) src(%arg10 : memref<16xf32, #tpu.memory_space<vmem>>) dst(%dma_wait3A_61 : memref<16xf32, #tpu.memory_space<hbm>>)
        tpu.yield
      }) : () -> ()
    } else {
    }
    return
  }
}

module attributes {stable_mosaic.version = 14 : i64} {
  func.func @_stage1(%arg0: i32, %arg1: i32, %arg2: memref<1x10240x85xf32, #tpu.memory_space<vmem>>, %arg3: memref<1x4x5x2560xf32, #tpu.memory_space<vmem>>) attributes {dimension_semantics = [#tpu.dimension_semantics<parallel>, #tpu.dimension_semantics<parallel>], iteration_bounds = array<i64: 8, 2>, scalar_prefetch = 0 : i64, scratch_operands = 0 : i64, tpu.core_type = #tpu.core_type<tc>, window_params = [{transform_indices = @transform_0, window_bounds = array<i64: 1, 10240, 85>}, {transform_indices = @transform_1, window_bounds = array<i64: 1, 4, 5, 2560>}]} {
    %get3A = arith.constant 0 : index
    %get3A_0 = arith.constant 0 : index
    %get3A_1 = arith.constant 0 : index
    %get3A_2 = vector.load %arg2[%get3A, %get3A_0, %get3A_1] : memref<1x10240x85xf32, #tpu.memory_space<vmem>>, vector<1x10240x85xf32>
    %get3A_3 = vector.shape_cast %get3A_2 : vector<1x10240x85xf32> to vector<10240x85xf32>
    %slice3A = vector.extract_strided_slice %get3A_3 {offsets = [0, 5], sizes = [10240, 80], strides = [1, 1]} : vector<10240x85xf32> to vector<10240x80xf32>
    %reduce_max3A = arith.constant dense<0xFF800000> : vector<10240xf32>
    %reduce_max3A_4 = vector.multi_reduction <maximumf>, %slice3A, %reduce_max3A [1] : vector<10240x80xf32> to vector<10240xf32>
    %broadcast_in_dim3A = vector.shape_cast %reduce_max3A_4 : vector<10240xf32> to vector<10240x1xf32>
    %slice3A_5 = vector.extract_strided_slice %get3A_3 {offsets = [0, 0], sizes = [10240, 8], strides = [1, 1]} : vector<10240x85xf32> to vector<10240x8xf32>
    %transpose3A = tpu.transpose %slice3A_5, [1, 0] : vector<10240x8xf32> -> vector<8x10240xf32>
    %transpose3A_6 = tpu.transpose %broadcast_in_dim3A, [1, 0] : vector<10240x1xf32> -> vector<1x10240xf32>
    %slice3A_7 = vector.extract_strided_slice %transpose3A {offsets = [0, 0], sizes = [1, 10240], strides = [1, 1]} : vector<8x10240xf32> to vector<1x10240xf32>
    %slice3A_8 = vector.extract_strided_slice %transpose3A {offsets = [1, 0], sizes = [1, 10240], strides = [1, 1]} : vector<8x10240xf32> to vector<1x10240xf32>
    %slice3A_9 = vector.extract_strided_slice %transpose3A {offsets = [2, 0], sizes = [1, 10240], strides = [1, 1]} : vector<8x10240xf32> to vector<1x10240xf32>
    %mul3A = arith.constant 5.000000e-01 : f32
    %mul3A_10 = vector.broadcast %mul3A : f32 to vector<1x10240xf32>
    %mul3A_11 = arith.mulf %slice3A_9, %mul3A_10 : vector<1x10240xf32>
    %slice3A_12 = vector.extract_strided_slice %transpose3A {offsets = [3, 0], sizes = [1, 10240], strides = [1, 1]} : vector<8x10240xf32> to vector<1x10240xf32>
    %mul3A_13 = arith.constant 5.000000e-01 : f32
    %mul3A_14 = vector.broadcast %mul3A_13 : f32 to vector<1x10240xf32>
    %mul3A_15 = arith.mulf %slice3A_12, %mul3A_14 : vector<1x10240xf32>
    %slice3A_16 = vector.extract_strided_slice %transpose3A {offsets = [4, 0], sizes = [1, 10240], strides = [1, 1]} : vector<8x10240xf32> to vector<1x10240xf32>
    %slice3A_17 = vector.extract_strided_slice %transpose3A {offsets = [5, 0], sizes = [1, 10240], strides = [1, 1]} : vector<8x10240xf32> to vector<1x10240xf32>
    %mul3A_18 = arith.mulf %slice3A_17, %slice3A_16 : vector<1x10240xf32>
    %mul3A_19 = arith.mulf %transpose3A_6, %slice3A_16 : vector<1x10240xf32>
    %mul3A_20 = arith.constant 10240 : i32
    %mul3A_21 = arith.muli %arg1, %mul3A_20 : i32
    %iota3A = tpu.iota {dimensions = array<i32: 1>} : vector<1x10240xi32>
    %add3A = vector.broadcast %mul3A_21 : i32 to vector<1x10240xi32>
    %add3A_22 = arith.addi %add3A, %iota3A : vector<1x10240xi32>
    %lt3A = arith.constant 20000 : i32
    %lt3A_23 = vector.broadcast %lt3A : i32 to vector<1x10240xi32>
    %lt3A_24 = arith.cmpi slt, %add3A_22, %lt3A_23 : vector<1x10240xi32>
    %gt3A = arith.constant 0.899999976 : f32
    %gt3A_25 = vector.broadcast %gt3A : f32 to vector<1x10240xf32>
    %gt3A_26 = arith.cmpf ogt, %slice3A_16, %gt3A_25 : vector<1x10240xf32>
    %and3A = arith.andi %lt3A_24, %gt3A_26 : vector<1x10240xi1>
    %gt3A_27 = arith.constant 0.899999976 : f32
    %gt3A_28 = vector.broadcast %gt3A_27 : f32 to vector<1x10240xf32>
    %gt3A_29 = arith.cmpf ogt, %mul3A_19, %gt3A_28 : vector<1x10240xf32>
    %and3A_30 = arith.andi %and3A, %gt3A_29 : vector<1x10240xi1>
    %ge3A = arith.cmpf oge, %mul3A_18, %mul3A_19 : vector<1x10240xf32>
    %and3A_31 = arith.andi %and3A_30, %ge3A : vector<1x10240xi1>
    %jit3A = arith.constant 0xFF800000 : f32
    %broadcast_in_dim3A_32 = vector.broadcast %jit3A : f32 to vector<1x10240xf32>
    %select_n3A = arith.select %and3A_31, %mul3A_19, %broadcast_in_dim3A_32 : vector<1x10240xi1>, vector<1x10240xf32>
    %sub3A = arith.subf %slice3A_7, %mul3A_11 : vector<1x10240xf32>
    %sub3A_33 = arith.subf %slice3A_8, %mul3A_15 : vector<1x10240xf32>
    %add3A_34 = arith.addf %slice3A_7, %mul3A_11 : vector<1x10240xf32>
    %add3A_35 = arith.addf %slice3A_8, %mul3A_15 : vector<1x10240xf32>
    %concatenate3A = tpu.concatenate %select_n3A, %sub3A, %sub3A_33, %add3A_34, %add3A_35 in 0 : vector<1x10240xf32>, vector<1x10240xf32>, vector<1x10240xf32>, vector<1x10240xf32>, vector<1x10240xf32> -> vector<5x10240xf32>
    %slice3A_36 = vector.extract_strided_slice %concatenate3A {offsets = [0, 0], sizes = [5, 2560], strides = [1, 1]} : vector<5x10240xf32> to vector<5x2560xf32>
    %swap3A = arith.constant 0 : index
    %swap3A_37 = arith.constant 0 : index
    %swap3A_38 = arith.constant 0 : index
    %swap3A_39 = arith.constant 0 : index
    %swap3A_40 = vector.load %arg3[%swap3A, %swap3A_37, %swap3A_38, %swap3A_39] : memref<1x4x5x2560xf32, #tpu.memory_space<vmem>>, vector<1x1x5x2560xf32>
    %swap3A_41 = vector.shape_cast %swap3A_40 : vector<1x1x5x2560xf32> to vector<5x2560xf32>
    %swap3A_42 = vector.shape_cast %slice3A_36 : vector<5x2560xf32> to vector<1x1x5x2560xf32>
    tpu.vector_store %arg3[%swap3A, %swap3A_37, %swap3A_38, %swap3A_39], %swap3A_42 {strides = array<i32>} : memref<1x4x5x2560xf32, #tpu.memory_space<vmem>>, vector<1x1x5x2560xf32>,
    %slice3A_43 = vector.extract_strided_slice %concatenate3A {offsets = [0, 2560], sizes = [5, 2560], strides = [1, 1]} : vector<5x10240xf32> to vector<5x2560xf32>
    %swap3A_44 = arith.constant 0 : index
    %swap3A_45 = arith.constant 1 : index
    %swap3A_46 = arith.constant 0 : index
    %swap3A_47 = arith.constant 0 : index
    %swap3A_48 = vector.load %arg3[%swap3A_44, %swap3A_45, %swap3A_46, %swap3A_47] : memref<1x4x5x2560xf32, #tpu.memory_space<vmem>>, vector<1x1x5x2560xf32>
    %swap3A_49 = vector.shape_cast %swap3A_48 : vector<1x1x5x2560xf32> to vector<5x2560xf32>
    %swap3A_50 = vector.shape_cast %slice3A_43 : vector<5x2560xf32> to vector<1x1x5x2560xf32>
    tpu.vector_store %arg3[%swap3A_44, %swap3A_45, %swap3A_46, %swap3A_47], %swap3A_50 {strides = array<i32>} : memref<1x4x5x2560xf32, #tpu.memory_space<vmem>>, vector<1x1x5x2560xf32>,
    %slice3A_51 = vector.extract_strided_slice %concatenate3A {offsets = [0, 5120], sizes = [5, 2560], strides = [1, 1]} : vector<5x10240xf32> to vector<5x2560xf32>
    %swap3A_52 = arith.constant 0 : index
    %swap3A_53 = arith.constant 2 : index
    %swap3A_54 = arith.constant 0 : index
    %swap3A_55 = arith.constant 0 : index
    %swap3A_56 = vector.load %arg3[%swap3A_52, %swap3A_53, %swap3A_54, %swap3A_55] : memref<1x4x5x2560xf32, #tpu.memory_space<vmem>>, vector<1x1x5x2560xf32>
    %swap3A_57 = vector.shape_cast %swap3A_56 : vector<1x1x5x2560xf32> to vector<5x2560xf32>
    %swap3A_58 = vector.shape_cast %slice3A_51 : vector<5x2560xf32> to vector<1x1x5x2560xf32>
    tpu.vector_store %arg3[%swap3A_52, %swap3A_53, %swap3A_54, %swap3A_55], %swap3A_58 {strides = array<i32>} : memref<1x4x5x2560xf32, #tpu.memory_space<vmem>>, vector<1x1x5x2560xf32>,
    %slice3A_59 = vector.extract_strided_slice %concatenate3A {offsets = [0, 7680], sizes = [5, 2560], strides = [1, 1]} : vector<5x10240xf32> to vector<5x2560xf32>
    %swap3A_60 = arith.constant 0 : index
    %swap3A_61 = arith.constant 3 : index
    %swap3A_62 = arith.constant 0 : index
    %swap3A_63 = arith.constant 0 : index
    %swap3A_64 = vector.load %arg3[%swap3A_60, %swap3A_61, %swap3A_62, %swap3A_63] : memref<1x4x5x2560xf32, #tpu.memory_space<vmem>>, vector<1x1x5x2560xf32>
    %swap3A_65 = vector.shape_cast %swap3A_64 : vector<1x1x5x2560xf32> to vector<5x2560xf32>
    %swap3A_66 = vector.shape_cast %slice3A_59 : vector<5x2560xf32> to vector<1x1x5x2560xf32>
    tpu.vector_store %arg3[%swap3A_60, %swap3A_61, %swap3A_62, %swap3A_63], %swap3A_66 {strides = array<i32>} : memref<1x4x5x2560xf32, #tpu.memory_space<vmem>>, vector<1x1x5x2560xf32>,
    return
  }
  func.func @transform_0(%arg0: i32, %arg1: i32) -> (i32, i32, i32) {
    %c0_i32 = arith.constant 0 : i32
    %c0_i32_0 = arith.constant 0 : i32
    return %arg0, %arg1, %c0_i32 : i32, i32, i32
  }
  func.func @transform_1(%arg0: i32, %arg1: i32) -> (i32, i32, i32, i32) {
    %c0_i32 = arith.constant 0 : i32
    %c0_i32_0 = arith.constant 0 : i32
    %c0_i32_1 = arith.constant 0 : i32
    return %arg0, %arg1, %c0_i32, %c0_i32_0 : i32, i32, i32, i32
  }
}

</mosaic_0001>

<sc_bundles>
// kernel: kernel.4.cloned.1.call-start
scs
__scs_entry_jumppad:
0x0: {  	(pc) =	sbr.rel $0x88, $3  }
0x1: {  	(tag) =	ssettag $0x0;
	lr =	simm.s32 $0x1  }
0x2: {  	[smem:$0x3FA0] =	sst lr;
	_ =	strace $0xD0000000  }
0x3: {  	_ = 	snop  }
0x4: {  	_ = 	snop  }
0x5: {  	_ = 	snop  }
0x6: {  	_ = 	snop  }
0x7: {  	_ = 	snop  }
__scs_overlays_trampoline_lowered:
0x8: {  	[smem:$0x3FAF] =	sst s0  }
0x9: {  	[smem:$0x3FB0] =	sst s1  }
0xa: {  	[smem:$0x3FB1] =	sst s2  }
0xb: {  	[smem:$0x3FB2] =	sst s3  }
0xc: {  	[smem:$0x3FB3] =	sst s4  }
0xd: {  	[smem:$0x3FB4] =	sst s5  }
0xe: {  	[smem:$0x3FB5] =	sst s6  }
0xf: {  	[smem:$0x3FB6] =	sst s7  }
0x10: {  	[smem:$0x3FB7] =	sst s8  }
0x11: {  	[smem:$0x3FB8] =	sst s9;
	s0 =	simm.s32 @!p0 $0x0  }
0x12: {  	s1 =	sld [smem:$0x3F9E];
	s0 =	simm.s32 @p0 $0x1  }
0x13: {  	[smem:$0x3FB9] =	sst s0;
	s0 =	simm.s32 @!p1 $0x0  }
0x14: {  	s2 =	sld [smem:$0x3F9D];
	s0 =	simm.s32 @p1 $0x1  }
0x15: {  	[smem:$0x3FBA] =	sst s0;
	s0 =	simm.s32 @!p2 $0x0  }
0x16: {  	s3 =	sld [smem:$0x3FDB];
	s0 =	simm.s32 @p2 $0x1  }
0x17: {  	s4 =	simm.s32 $0x1BF5;
	[smem:$0x3FBC] =	sst s0  }
0x18: {  	s0 =	sld [smem:$0x3F9F];
	_ =	swait.ge [sflag:s4], $0x0  }
0x19: {  	s7 =	sld [smem:$0x3FA0]  }
0x1a: {  	s8 =	sadd.s32 $0xFFFFE003, lr  }
0x1b: {  	s9 =	sadd.s32 $0xFFFFFEF7, lr;
	s5 =	simm.s32 $0xFFFFFFFF;
	p2 =	slt.u32 s8, $0xFFFFF086  }
0x1c: {  	p1 =	slt.u32 s9, $0xF7A;
	s5 =	simm.s32 @!p2 $0x0  }
0x1d: {  	s5 =	simm.s32 @p1 $0x1;
	p0 =	seq.s32 s7, s2  }
0x1e: {  	s7 =	smul.u32 @!p0 $0xF7A, s2;
	p2 =	seq.s32 @!p0 s5, $0x0  }
0x1f: {  	s9 =	smul.u32 $0xF7A, s1;
	s8 =	simm.s32 @!p0 $0x1BF5;
	p2 =	por !p2, p0  }
0x20: {  	[sflag:s8] =	ssyncset.s32 @!p0 $0xFFFFF086;
	s6 =	sadd.s32 @!p0 s3, s7;
	s7 =	simm.s32 @!p0 $0x108  }
0x21: {  	s3 =	sadd.s32 s3, s9;
	s6 =	sadd.s32 @!p0 $0x88, s6;
	s7 =	simm.s32 @p2 $0x1082  }
0x22: {  	[simem:s7], [sflag:s8] =	dma.local @!p0 [hbm:s6], $0xF7A  }
0x23: {  	s9 =	sor.u32 $0xD0000000, s2;
	s6 =	simm.s32 $0x108;
	_ =	swait.ge @!p0 [sflag:s8], $0x0  }
0x24: {  	s3 =	sadd.s32 $0x88, s3;
	s6 =	simm.s32 @!p1 $0x1082;
	[sflag:s4] =	ssyncset.s32 $0xFFFFF086  }
0x25: {  	[simem:s6], [sflag:s4] =	dma.local [hbm:s3], $0xF7A  }
0x26: {  	[smem:$0x3FA0] =	sst s1;
	(tag) =	ssettag s2;
	_ =	strace s9  }
0x27: {  	s1 =	sld [smem:$0x3FB0]  }
0x28: {  	s2 =	sld [smem:$0x3FB1]  }
0x29: {  	s4 =	sld [smem:$0x3FB3]  }
0x2a: {  	p0 =	seq.s32 s5, $0x0;
	s5 =	sld [smem:$0x3FB4]  }
0x2b: {  	s6 =	sld [smem:$0x3FB5]  }
0x2c: {  	s7 =	sld [smem:$0x3FB6]  }
0x2d: {  	s3 =	simm.s32 $0x108;
	s8 =	sld [smem:$0x3FB7]  }
0x2e: {  	s3 =	simm.s32 @!p0 $0x1082;
	s9 =	sld [smem:$0x3FB8]  }
0x2f: {  	lr =	sadd.s32 s0, s3;
	s0 =	sld [smem:$0x3FAF]  }
0x30: {  	s3 =	sld [smem:$0x3FB2]  }
0x31: {  	[smem:$0x3FBB] =	sst s10  }
0x32: {  	s10 =	sld [smem:$0x3FB9];
	_ =	sdelay $0x3  }
0x33: {  	p0 =	seq.s32 s10, $0x1;
	s10 =	sld [smem:$0x3FBB];
	_ =	sdelay $0x3  }
0x34: {  	[smem:$0x3FBB] =	sst s10  }
0x35: {  	s10 =	sld [smem:$0x3FBA];
	_ =	sdelay $0x3  }
0x36: {  	p1 =	seq.s32 s10, $0x1;
	s10 =	sld [smem:$0x3FBB];
	_ =	sdelay $0x3  }
0x37: {  	[smem:$0x3FBB] =	sst s10  }
0x38: {  	s10 =	sld [smem:$0x3FBC]  }
0x39: {  	_ = 	snop;
	(pc) =	sbr.ind lr, $3  }
0x3a: {  	_ = 	snop  }
0x3b: {  	_ = 	snop  }
0x3c: {  	p2 =	seq.s32 s10, $0x1;
	s10 =	sld [smem:$0x3FBB]  }
0x3d: {  	_ =	shalt  }
0x3e: {  	_ =	shalt  }
0x3f: {  	_ =	shalt  }
0x40: {  	_ =	shalt  }
0x41: {  	_ =	shalt  }
0x42: {  	_ =	shalt  }
0x43: {  	_ =	shalt  }
0x44: {  	_ =	shalt  }
0x45: {  	_ =	shalt  }
0x46: {  	_ =	shalt  }
0x47: {  	_ =	shalt  }
0x48: {  	_ =	shalt  }
0x49: {  	_ =	shalt  }
0x4a: {  	_ =	shalt  }
0x4b: {  	_ =	shalt  }
0x4c: {  	_ =	shalt  }
0x4d: {  	_ =	shalt  }
0x4e: {  	_ =	shalt  }
0x4f: {  	_ =	shalt  }
0x50: {  	_ =	shalt  }
0x51: {  	_ =	shalt  }
0x52: {  	_ =	shalt  }
0x53: {  	_ =	shalt  }
0x54: {  	_ =	shalt  }
0x55: {  	_ =	shalt  }
0x56: {  	_ =	shalt  }
0x57: {  	_ =	shalt  }
0x58: {  	_ =	shalt  }
0x59: {  	_ =	shalt  }
0x5a: {  	_ =	shalt  }
0x5b: {  	_ =	shalt  }
0x5c: {  	_ =	shalt  }
0x5d: {  	_ =	shalt  }
0x5e: {  	_ =	shalt  }
0x5f: {  	_ =	shalt  }
0x60: {  	_ =	shalt  }
0x61: {  	_ =	shalt  }
0x62: {  	_ =	shalt  }
0x63: {  	_ =	shalt  }
0x64: {  	_ =	shalt  }
0x65: {  	_ =	shalt  }
0x66: {  	_ =	shalt  }
0x67: {  	_ =	shalt  }
0x68: {  	_ =	shalt  }
0x69: {  	_ =	shalt  }
0x6a: {  	_ =	shalt  }
0x6b: {  	_ =	shalt  }
0x6c: {  	_ =	shalt  }
0x6d: {  	_ =	shalt  }
0x6e: {  	_ =	shalt  }
0x6f: {  	_ =	shalt  }
0x70: {  	_ =	shalt  }
0x71: {  	_ =	shalt  }
0x72: {  	_ =	shalt  }
0x73: {  	_ =	shalt  }
0x74: {  	_ =	shalt  }
0x75: {  	_ =	shalt  }
0x76: {  	_ =	shalt  }
0x77: {  	_ =	shalt  }
0x78: {  	_ =	shalt  }
0x79: {  	_ =	shalt  }
0x7a: {  	_ =	shalt  }
0x7b: {  	_ =	shalt  }
0x7c: {  	_ =	shalt  }
0x7d: {  	_ =	shalt  }
0x7e: {  	_ =	shalt  }
0x7f: {  	_ =	shalt  }
0x80: {  	_ =	shalt  }
0x81: {  	_ =	shalt  }
0x82: {  	_ =	shalt  }
0x83: {  	_ =	shalt  }
0x84: {  	_ =	shalt  }
0x85: {  	_ =	shalt  }
0x86: {  	_ =	shalt  }
0x87: {  	_ =	shalt  }
.Lfunc_end0:
.L_simem_size_0:
called_computation_lowered:
.L_overlay_start_0:
0x88: {  	s2 =	sld [smem:$0x3FD9]  }
0x89: {  	s3 =	sld [smem:$0x3FFE];
	_ =	sdelay $0x1  }
0x8a: {  	s1 =	srdreg.scid  }
0x8b: {  	s0 =	sand.u32 $0x1, s1  }
0x8c: {  	s16 =	sshll.u32 s0, $0xA;
	s2 =	sadd.s32 s3, s2  }
0x8d: {  	s2 =	sadd.s32 s2, s16  }
0x8e: {  	[smem:$0x3FC7] =	sst s2  }
0x8f: {  	_ = 	snop  }
0x90: {  	(tm) =	ssettm $0x1  }
0x91: {  	s17 =	sld [smem:$0x3FFB];
	_ =	sdelay $0x3  }
0x92: {  	_ =	strace s17  }
0x93: {  	s2 =	sld [smem:$0x3FFC];
	_ =	sdelay $0x3  }
0x94: {  	_ =	strace s2  }
0x95: {  	s2 =	sld [smem:$0x3FFD];
	_ =	sdelay $0x3  }
0x96: {  	_ =	strace s2  }
0x97: {  	_ =	strace $0x8FFFFFFF  }
0x98: {  	s18 =	sld [smem:$0x3FDB];
	_ =	sdelay $0x1  }
0x99: {  	s19 =	simm.s32 $_scs_section_size  }
0x9a: {  	s4 =	simm.s32 $_size__tile_overlayer_lowered;
	s5 =	simm.s32 $_tile_overlayer_lowered  }
0x9b: {  	s22 =	simm.s32 $0x1BFF;
	s21 =	sshll.u32 s5, $0x1;
	s2 =	sadd.s32 s19, s18  }
0x9c: {  	s6 =	simm.s32 $0x0;
	s20 =	sshll.u32 s4, $0x1;
	s4 =	sadd.s32 s21, s2  }
0x9d: {  	[timem:s6], [sflag:s22] =	dma.local [hbm:s4], s20  }
0x9e: {  	_ =	swait.ge [sflag:s22], s20  }
0x9f: {  	s3 =	ssub.s32 $0x0, s20;
	[sflag:s22] =	ssyncset.done $0x0  }
0xa0: {  	[sflag:s22] =	ssyncadd.s32 s3;
	_ =	sdelay $0x1  }
0xa1: {  	s23 =	simm.s32 $0x1B8B  }
0xa2: {  	_ =	swait.ge [sflag:s23], $0x1  }
0xa3: {  	[sflag:s23] =	ssyncset.done $0x0  }
0xa4: {  	s25 =	simm.s32 $0x1B8E;
	s24 =	sld [smem:$0x3FFE];
	[sflag:s23] =	ssyncadd.s32 $0xFFFFFFFF  }
0xa5: {  	s26 =	simm.s32 $execute0_lowered;
	[smem:$0x3FD2] =	sst s25  }
0xa6: {  	s4 =	sshll.u32 s26, $0x1;
	_ =	strace $0x80000046;
	[dreg:$0x1] =	wrdreg $0xFFFFFFFF  }
0xa7: {  	s28 =	simm.s32 $_size_execute0_lowered;
	s2 =	sadd.s32 s2, s4;
	[dreg:$0x0] =	wrdreg $0x0  }
0xa8: {  	s4 =	sshll.u32 s28, $0x1;
	[dreg:$0x2] =	wrdreg s2  }
0xa9: {  	[dreg:$0x3] =	wrdreg s4  }
0xaa: {  	[dreg:$0x4] =	wrdreg $0xC0  }
0xab: {  	_ =	task [dreg:s6], $0x5FFFF  }
0xac: {  	[dreg:$0x1] =	wrdreg $0xFFFFFFFF  }
0xad: {  	[dreg:$0x0] =	wrdreg $0x60  }
0xae: {  	[dreg:$0x2] =	wrdreg s24  }
0xaf: {  	[dreg:$0x3] =	wrdreg $0x9  }
0xb0: {  	_ =	task.clear_ibuf [dreg:s6], $0x4FFFF;
	_ =	strace $0x90000046  }
0xb1: {  	s29 =	simm.s32 $0x9;
	_ =	strace $0x80000048  }
0xb2: {  	_ =	swait.ge [sflag:s29], $0x1  }
0xb3: {  	[sflag:s29] =	ssyncadd.s32 $0xFFFFFFFF  }
0xb4: {  	_ =	strace $0x90000048  }
0xb5: {  	_ =	sfence  }
0xb6: {  	s30 =	sld [smem:$0x0];
	_ =	sdelay $0x2  }
0xb7: {  	s31 =	sshll.u32 s1, $0xD;
	s1 =	sshrl.u32 s1, $0x2  }
0xb8: {  	s3 =	sand.u32 $0x4000, s31;
	s1 =	sadd.s32 s1, s30  }
0xb9: {  	s0 =	sor.u32 s3, s0;
	s1 =	sshll.u32 s1, $0x11  }
0xba: {  	s0 =	sor.u32 s1, s0  }
0xbb: {  	s0 =	sadd.s32 $0x8F2B, s0  }
0xbc: {  	[sflag:s0] =	ssyncadd.remote.s32 $0x1  }
0xbd: {  	_ =	sfence.sel $0xFFFF  }
0xbe: {  	[dreg:$0x0] =	wrdreg $0xFFFFFFFF;
	(pc) =	sbr.abs _section_cstart, $3  }
0xbf: {  	[dreg:$0x1] =	wrdreg $0xFFFFFFFF  }
0xc0: {  	_ =	task.clear_ibuf [dreg:s6], $0x2FFFF;
	_ =	strace $0x9FFFFFFF  }
0xc1: {  	(tm) =	ssettm $0x7FFFFFFF  }
tec
execute0_lowered:
.L_overlay_start_1:
0x0: {  	(tag) =	ssettag $0x1  }
0x1: {  	s1 =	stileid.u32  }
0x2: {  	p0 =	sgt.u32 s1, $0x3  }
.Ltmp0:
0x3: {  	_ = 	snop;
	(pc) =	sbr.rel @p0 .LBB2_41-.Ltmp0, $4  }
0x4: {  	_ = 	snop  }
0x5: {  	s4 =	rddreg [dreg:$0x0];
	s2 =	simm.s32 $0x0  }
0x6: {  	[smem:$0x7FF] =	sst s2  }
0x7: {  	s0 =	rddreg [dreg:$0x1];
	_ =	strace $0x80000047  }
0x8: {  	s3 =	srdreg.scid  }
0x9: {  	s5 =	sshll.u32 s1, $0x1;
	s3 =	sand.u32 $0x1, s3  }
.Ltmp1:
0xa: {  	s5 =	sor.u32 s3, s5;
	(pc) =	sbr.rel .LBB2_2-.Ltmp1, $4  }
0xb: {  	s9 =	simm.s32 $0x0;
	s6 =	ssub.s32 $0x2, s3;
	s7 =	sshll.u32 s5, $0x4  }
0xc: {  	s3 =	sadd.s32 $0x200, s4;
	s8 =	sshrl.u32 s6, $0x1;
	s7 =	sadd.s32 s7, s4  }
0xd: {  	v0 =	vimm.s32 $0x0;
	v1 =	vlaneseq.u32;
	s6 =	ssub.s32 s6, s8;
	s4 =	smul.u32 $0x28000, s5;
	s8 =	simm.s32 $0x1E280  }
0xe: {  	v2 =	vimm.f32 $-Inf;
	vm0 =	vmxor vm0, vm0;
	v3 =	vor.u32 $0x80000000, v1;
	s5 =	sadd.s32 $0x28200, s7;
	s6 =	smax.u32 s6, $0x1;
	s7 =	simm.s32 $0x1  }
.LBB2_7:
0xf: {  	s12 =	simm.f32 $0.0e+00  }
.LBB2_40:
0x10: {  	s9 =	sadd.s32 $0x1, s9  }
0x11: {  	v4 =	vmov s12;
	p0 =	sne.s32 s9, s6  }
.Ltmp2:
0x12: {  	[tilespmem:$0x1E280] =	vst v4;
	(pc) =	sbr.rel @!p0 .LBB2_41-.Ltmp2, $4  }
0x13: {  	[hbm4b:s5+s2] =	stream.linear.scatter [tilespmem:s8], [sflag:$0x1], $0x80, $0x38;
	[tilespmem:$0x1E300] =	vst v63  }
0x14: {  	_ =	swait.ge [sflag:s7], $0x80  }
0x15: {  	[sflag:s7] =	ssyncset.done $0x0  }
0x16: {  	[sflag:s7] =	ssyncadd.s32 $0xFFFFFF80  }
.LBB2_2:
0x17: {  	s10 =	simm.s32 $0x0;
	s12 =	simm.s32 $0x0;
	s11 =	simm.s32 $0x0  }
.LBB2_3:
0x18: {  	s13 =	smul.u32 $0x5000, s11;
	_ =	sdelay $0x1  }
0x19: {  	s13 =	sadd.s32 s4, s13  }
0x1a: {  	s13 =	sshrl.u32 s13, $0x3  }
0x1b: {  	s13 =	sadd.s32 s3, s13  }
0x1c: {  	[tilespmem:s10], [sflag:$0x1] =	stream.linear.gather [hbm4b:s13+s10], $0x5000, $0x38;
	[tilespmem:$0x1E300] =	vst v63  }
0x1d: {  	_ =	swait.ge [sflag:s7], $0x5000  }
0x1e: {  	s31 =	sand.u32 $0x70, s10;
	s14 =	sand.u32 $0x7C00, s10;
	[sflag:s7] =	ssyncset.done $0x0  }
0x1f: {  	s15 =	sor.u32 s31, s14;
	[sflag:s7] =	ssyncadd.s32 $0xFFFFB000  }
0x20: {  	v4 =	vld [tilespmem:s15+$0x0];
	_ =	sdelay $0x4  }
0x21: {  	vm1 =	vgt.f32 v4, $5.000000000e-01  }
0x22: {  	v5 =	vsel vm1, $0x1, v0  }
0x23: {  	(xrf0) =	vadd.scan.msk.s32 $0xffff, v5;
	_ =	sdelay $0x5  }
0x24: {  	v5, _, _ =	vpop (xrf0)  }
0x25: {  	(v2sf) =	vpush v5, $0xF;
	_ =	sdelay $0xe  }
0x26: {  	s14 =	spop (v2sf)  }
0x27: {  	p1 =	slt.s32 s14, $0x1  }
0x28: {  	vm1 =	vgt.f32 @!p1 v4, $5.000000000e-01  }
0x29: {  	[tilespmem:s12+$0x5000] =	vst.msk @!p1 vm1, v4  }
0x2a: {  	v4 =	vld @!p1 [tilespmem:s15+$0x80];
	_ =	sdelay $0x4  }
0x2b: {  	[tilespmem:s12+$0xA080] =	vst.msk @!p1 vm1, v4  }
0x2c: {  	v4 =	vld @!p1 [tilespmem:s15+$0x100];
	_ =	sdelay $0x4  }
0x2d: {  	[tilespmem:s12+$0xF100] =	vst.msk @!p1 vm1, v4  }
0x2e: {  	v4 =	vld @!p1 [tilespmem:s15+$0x180];
	_ =	sdelay $0x4  }
0x2f: {  	[tilespmem:s12+$0x14180] =	vst.msk @!p1 vm1, v4  }
0x30: {  	v4 =	vld @!p1 [tilespmem:s15+$0x200]  }
0x31: {  	s16 =	simm.s32 $0x10  }
0x32: {  	s13 =	simm.s32 $0x20;
	s17 =	sadd.s32 @!p1 s12, s14;
	s14 =	simm.s32 $0x80  }
0x33: {  	s17 =	smov.u32 @p1 s12;
	s15 =	sand.u32 $0x70, s16;
	s16 =	sand.u32 $0x7C00, s14  }
.LBB2_4:
0x34: {  	s18 =	smov.u32 s17  }
0x35: {  	s16 =	sor.u32 s15, s16;
	s15 =	smov.u32 s13;
	s13 =	sadd.s32 $0x10, s13;
	[tilespmem:s12+$0x19200] =	vst.msk @!p1 vm1, v4  }
0x36: {  	p0 =	sne.s32 s13, $0xA00;
	s12 =	smov.u32 s17;
	v4 =	vld [tilespmem:s16+$0x0];
	_ =	sdelay $0x4  }
0x37: {  	vm1 =	vgt.f32 v4, $5.000000000e-01  }
0x38: {  	v5 =	vsel vm1, $0x1, v0  }
0x39: {  	(xrf0) =	vadd.scan.msk.s32 $0xffff, v5;
	_ =	sdelay $0x5  }
0x3a: {  	v5, _, _ =	vpop (xrf0)  }
0x3b: {  	(v2sf) =	vpush v5, $0xF;
	_ =	sdelay $0xe  }
0x3c: {  	s17 =	spop (v2sf)  }
0x3d: {  	p1 =	slt.s32 s17, $0x1  }
0x3e: {  	vm1 =	vgt.f32 @!p1 v4, $5.000000000e-01;
	s17 =	sadd.s32 @!p1 s18, s17  }
0x3f: {  	[tilespmem:s12+$0x5000] =	vst.msk @!p1 vm1, v4;
	s17 =	smov.u32 @p1 s18  }
0x40: {  	v4 =	vld @!p1 [tilespmem:s16+$0x80];
	_ =	sdelay $0x4  }
0x41: {  	[tilespmem:s12+$0xA080] =	vst.msk @!p1 vm1, v4  }
0x42: {  	v4 =	vld @!p1 [tilespmem:s16+$0x100];
	_ =	sdelay $0x4  }
0x43: {  	[tilespmem:s12+$0xF100] =	vst.msk @!p1 vm1, v4  }
0x44: {  	v4 =	vld @!p1 [tilespmem:s16+$0x180];
	_ =	sdelay $0x4  }
0x45: {  	[tilespmem:s12+$0x14180] =	vst.msk @!p1 vm1, v4  }
.Ltmp3:
0x46: {  	v4 =	vld @!p1 [tilespmem:s16+$0x200];
	(pc) =	sbr.rel @p0 .LBB2_4-.Ltmp3, $3  }
0x47: {  	_ =	sdelay $0x1  }
0x48: {  	s14 =	sadd.s32 $0x80, s14  }
0x49: {  	s15 =	sand.u32 $0x70, s15;
	s16 =	sand.u32 $0x7C00, s14  }
0x4a: {  	s13 =	sor.u32 s15, s16;
	[tilespmem:s12+$0x19200] =	vst.msk @!p1 vm1, v4  }
0x4b: {  	v4 =	vld [tilespmem:s13+$0x0];
	_ =	sdelay $0x4  }
0x4c: {  	vm1 =	vgt.f32 v4, $5.000000000e-01  }
0x4d: {  	v5 =	vsel vm1, $0x1, v0  }
0x4e: {  	(xrf0) =	vadd.scan.msk.s32 $0xffff, v5;
	_ =	sdelay $0x5  }
0x4f: {  	v5, _, _ =	vpop (xrf0)  }
0x50: {  	(v2sf) =	vpush v5, $0xF;
	_ =	sdelay $0xe  }
0x51: {  	s12 =	spop (v2sf)  }
0x52: {  	p0 =	slt.s32 s12, $0x1  }
0x53: {  	vm1 =	vgt.f32 @!p0 v4, $5.000000000e-01  }
0x54: {  	[tilespmem:s17+$0x5000] =	vst.msk @!p0 vm1, v4  }
0x55: {  	v4 =	vld @!p0 [tilespmem:s13+$0x80];
	_ =	sdelay $0x4  }
0x56: {  	[tilespmem:s17+$0xA080] =	vst.msk @!p0 vm1, v4  }
0x57: {  	v4 =	vld @!p0 [tilespmem:s13+$0x100];
	_ =	sdelay $0x4  }
0x58: {  	[tilespmem:s17+$0xF100] =	vst.msk @!p0 vm1, v4  }
0x59: {  	v4 =	vld @!p0 [tilespmem:s13+$0x180];
	_ =	sdelay $0x4  }
0x5a: {  	s11 =	sadd.s32 $0x1, s11;
	[tilespmem:s17+$0x14180] =	vst.msk @!p0 vm1, v4  }
0x5b: {  	p1 =	sne.s32 s11, $0x8;
	v4 =	vld @!p0 [tilespmem:s13+$0x200]  }
.Ltmp4:
0x5c: {  	_ = 	snop;
	(pc) =	sbr.rel @p1 .LBB2_3-.Ltmp4, $3  }
0x5d: {  	_ =	sdelay $0x1  }
0x5e: {  	s12 =	sadd.s32 @!p0 s17, s12  }
0x5f: {  	s12 =	smov.u32 @p0 s17;
	[tilespmem:s17+$0x19200] =	vst.msk @!p0 vm1, v4  }
0x60: {  	s10 =	sadd.s32 $0xF, s12  }
0x61: {  	s11 =	sand.u32 $0xF, s10  }
0x62: {  	s13 =	sshra.s32 s10, $0x1F;
	p0 =	slt.s32 s10, $0x1;
	p1 =	sne.s32 s11, $0x0  }
0x63: {  	s31 =	sshrl.u32 s13, $0x1C;
	p0 =	por !p0, !p1  }
0x64: {  	s11 =	simm.s32 $0x1;
	s10 =	sadd.s32 s31, s10;
	p0 =	por !p0, !p0  }
0x65: {  	s10 =	sshra.s32 s10, $0x4;
	s11 =	simm.s32 @!p0 $0x0  }
0x66: {  	s10 =	ssub.s32 s10, s11  }
0x67: {  	p0 =	sgt.s32 s10, $0x0  }
.Ltmp5:
0x68: {  	_ = 	snop;
	(pc) =	sbr.rel @!p0 .LBB2_7-.Ltmp5, $2  }
0x69: {  	_ =	sdelay $0x2  }
0x6a: {  	[tilespmem:s12+$0x5000] =	vst v2  }
0x6b: {  	s11 =	simm.s32 $0x5000  }
0x6c: {  	p0 =	seq.s32 s10, $0x1;
	v4 =	vld [tilespmem:s11+$0x0]  }
.Ltmp6:
0x6d: {  	_ = 	snop;
	(pc) =	sbr.rel @p0 .LBB2_9-.Ltmp6, $4  }
0x6e: {  	_ = 	snop  }
0x6f: {  	s12 =	simm.f32 $-Inf;
	s13 =	simm.s32 $0x5010;
	s14 =	simm.s32 @!p0 $0x0  }
0x70: {  	p1 =	por $0x0, $0x0;
	p2 =	por $0x0, $0x0;
	s14 =	simm.s32 @p0 $0x1  }
0x71: {  	p3 =	por $0x0, $0x0;
	s11 =	sadd.s32 $0xFFFFFFFF, s10;
	[smem:$0x7FD] =	sst s14;
	(xrf0) =	vmax.scan.msk.f32 $0xffff, v4  }
0x72: {  	v4 =	vld [tilespmem:s13+$0x0];
	p4 =	seq.s32 s11, $0x1  }
.Ltmp7:
0x73: {  	_ = 	snop;
	(pc) =	sbr.rel @p4 .LBB2_11-.Ltmp7, $2  }
0x74: {  	_ =	sdelay $0x2  }
0x75: {  	s13 =	sadd.s32 $0xFFFFFFFF, s11;
	s14 =	simm.s32 $0x5020;
	p1 =	por $0x1, $0x1;
	(xrf0) =	vmax.scan.msk.f32 $0xffff, v4;
	v4, _, _ =	vpop (xrf0)  }
0x76: {  	(v2sf) =	vpush v4, $0xF;
	_ =	sdelay $0x5  }
0x77: {  	v5 =	vld [tilespmem:s14+$0x0];
	p4 =	seq.s32 s13, $0x1  }
.Ltmp8:
0x78: {  	_ = 	snop;
	(pc) =	sbr.rel @p4 .LBB2_13-.Ltmp8, $2  }
0x79: {  	_ =	sdelay $0x2  }
0x7a: {  	s13 =	sadd.s32 $0xFFFFFFFF, s13;
	s14 =	simm.s32 $0x5030;
	p2 =	por $0x1, $0x1;
	(xrf0) =	vmax.scan.msk.f32 $0xffff, v5;
	v4, _, _ =	vpop (xrf0)  }
0x7b: {  	(v2sf) =	vpush v4, $0xF;
	_ =	sdelay $0x3  }
0x7c: {  	v5 =	vld [tilespmem:s14+$0x0];
	p4 =	seq.s32 s13, $0x1  }
.Ltmp9:
0x7d: {  	_ = 	snop;
	(pc) =	sbr.rel @p4 .LBB2_15-.Ltmp9, $3  }
0x7e: {  	_ =	sdelay $0x1  }
0x7f: {  	s14 =	sadd.s32 $0xFFFFFFFF, s13  }
0x80: {  	s15 =	simm.s32 $0x5040;
	p3 =	por $0x1, $0x1;
	s13 =	simm.f32 $-Inf;
	(xrf0) =	vmax.scan.msk.f32 $0xffff, v5;
	v4, _, _ =	vpop (xrf0)  }
.LBB2_16:
0x81: {  	v5 =	vld [tilespmem:s15+$0x0];
	p4 =	seq.s32 s14, $0x1;
	s14 =	sadd.s32 $0xFFFFFFFF, s14;
	(v2sf) =	vpush v4, $0xF  }
.Ltmp10:
0x82: {  	(pc) =	sbr.rel @!p4 .LBB2_16-.Ltmp10, $4  }
0x83: {  	_ = 	snop  }
0x84: {  	s16 =	spop (v2sf)  }
0x85: {  	s13 =	smax.f32 s13, s16  }
0x86: {  	s15 =	sadd.s32 $0x10, s15;
	(xrf0) =	vmax.scan.msk.f32 $0xffff, v5;
	v4, _, _ =	vpop (xrf0)  }
.LBB2_17:
0x87: {  	_ =	sdelay $0x3  }
0x88: {  	(v2sf) =	vpush @p1 v4, $0xF  }
0x89: {  	v4, _, _ =	vpop (xrf0)  }
0x8a: {  	(v2sf) =	vpush v4, $0xF;
	_ =	sdelay $0x8  }
0x8b: {  	s14 =	spop @p3 (v2sf)  }
0x8c: {  	s13 =	smax.f32 @p3 s13, s14;
	s14 =	simm.f32 $-Inf  }
0x8d: {  	s14 =	smov.u32 @p3 s13;
	s13 =	spop @p2 (v2sf)  }
0x8e: {  	s13 =	smax.f32 @p2 s14, s13;
	s14 =	simm.f32 $-Inf  }
0x8f: {  	s14 =	smov.u32 @p2 s13;
	s13 =	spop @p1 (v2sf)  }
0x90: {  	s13 =	smax.f32 @p1 s14, s13  }
0x91: {  	s12 =	smov.u32 @p1 s13;
	s31 =	spop (v2sf)  }
0x92: {  	s16 =	smax.f32 s12, s31  }
0x93: {  	p1 =	sgt.f32 s16, $5.000000000e-01  }
.Ltmp11:
0x94: {  	_ = 	snop;
	(pc) =	sbr.rel @!p1 .LBB2_40-.Ltmp11, $2  }
0x95: {  	_ =	sdelay $0x2  }
0x96: {  	s13 =	simm.f32 $-1.000000000e+00;
	s12 =	simm.f32 $0.0e+00  }
.LBB2_19:
0x97: {  	s14 =	simm.s32 $0x5000  }
0x98: {  	v5 =	vld [tilespmem:s14+$0x0]  }
0x99: {  	p5 =	sne.s32 s10, $0x1  }
.Ltmp12:
0x9a: {  	_ = 	snop;
	(pc) =	sbr.rel @!p5 .LBB2_20-.Ltmp12, $4  }
0x9b: {  	_ = 	snop  }
0x9c: {  	v4 =	vmov s16;
	s17 =	simm.s32 $0x0;
	s15 =	simm.s32 $0xFFFFFFFF  }
0x9d: {  	s19 =	simm.s32 $0x1;
	s18 =	simm.s32 $0x5010;
	p2 =	por $0x0, $0x0;
	vm1 =	veq.f32 v5, v4  }
0x9e: {  	p3 =	por $0x0, $0x0;
	p4 =	por $0x0, $0x0;
	p1 =	por $0x0, $0x0;
	v5 =	vsel vm1, $0x1, v0  }
0x9f: {  	v6 =	vld [tilespmem:s18+$0x0];
	(xrf0) =	vadd.scan.msk.s32 $0xffff, v5  }
0xa0: {  	p5 =	sne.s32 s10, $0x2  }
.Ltmp13:
0xa1: {  	_ = 	snop;
	(pc) =	sbr.rel @!p5 .LBB2_22-.Ltmp13, $3  }
0xa2: {  	_ =	sdelay $0x1  }
0xa3: {  	vm1 =	veq.f32 v6, v4  }
0xa4: {  	s18 =	simm.s32 $0x2;
	s20 =	simm.s32 $0x5020;
	p2 =	por $0x1, $0x1;
	v5 =	vsel vm1, $0x1, v0;
	v6, _, _ =	vpop (xrf0)  }
0xa5: {  	v7 =	vld [tilespmem:s20+$0x0];
	(xrf0) =	vadd.scan.msk.s32 $0xffff, v5  }
0xa6: {  	p5 =	sne.s32 s10, $0x3  }
.Ltmp14:
0xa7: {  	_ = 	snop;
	(pc) =	sbr.rel @!p5 .LBB2_24-.Ltmp14, $3  }
0xa8: {  	_ =	sdelay $0x1  }
0xa9: {  	vm1 =	veq.f32 v7, v4  }
0xaa: {  	(v2sf) =	vpush v6, $0xF;
	s20 =	simm.s32 $0x3;
	s21 =	simm.s32 $0x5030;
	p3 =	por $0x1, $0x1;
	v5 =	vsel vm1, $0x1, v0;
	v6, _, _ =	vpop (xrf0)  }
0xab: {  	(v2sf) =	vpush v6, $0xF;
	_ =	sdelay $0x6  }
0xac: {  	v7 =	vld [tilespmem:s21+$0x0];
	(xrf0) =	vadd.scan.msk.s32 $0xffff, v5  }
0xad: {  	p5 =	sne.s32 s10, $0x4  }
.Ltmp15:
0xae: {  	_ = 	snop;
	(pc) =	sbr.rel @!p5 .LBB2_26-.Ltmp15, $3  }
0xaf: {  	_ =	sdelay $0x1  }
0xb0: {  	vm1 =	veq.f32 v7, v4  }
0xb1: {  	s24 =	simm.s32 $0x4;
	s21 =	simm.s32 $0x5040;
	p4 =	por $0x1, $0x1;
	v5 =	vsel vm1, $0x1, v0;
	v6, _, _ =	vpop (xrf0)  }
0xb2: {  	v7 =	vld [tilespmem:s21+$0x0];
	(xrf0) =	vadd.scan.msk.s32 $0xffff, v5  }
0xb3: {  	p6 =	sne.s32 s10, $0x5  }
.Ltmp16:
0xb4: {  	(v2sf) =	vpush v6, $0xF;
	(pc) =	sbr.rel @!p6 .LBB2_28-.Ltmp16, $4  }
0xb5: {  	_ = 	snop  }
0xb6: {  	s31 =	spop (v2sf);
	s21 =	simm.s32 $0xFFFFFFFF;
	s25 =	simm.s32 $0x5  }
0xb7: {  	s26 =	simm.s32 $0x5050;
	s22 =	simm.s32 $0xFFFFFFFF;
	p5 =	sgt.s32 s31, $0x0;
	vm1 =	veq.f32 v7, v4  }
0xb8: {  	s23 =	simm.s32 $0x1;
	s21 =	smov.u32 @p5 s17;
	p5 =	por $0x1, $0x1;
	v5 =	vsel vm1, $0x1, v0;
	v6, _, _ =	vpop (xrf0)  }
.LBB2_29:
0xb9: {  	v7 =	vld [tilespmem:s26+$0x0];
	(xrf0) =	vadd.scan.msk.s32 $0xffff, v5;
	(v2sf) =	vpush v6, $0xF;
	p6 =	slt.s32 s22, $0x0  }
0xba: {  	s28 =	spop (v2sf);
	s22 =	smov.u32 @p6 s21  }
0xbb: {  	p0 =	sgt.s32 s28, $0x0;
	s21 =	smov.u32 s22  }
0xbc: {  	s21 =	smov.u32 @p0 s23;
	s23 =	smov.u32 s18;
	s18 =	smov.u32 s20  }
0xbd: {  	s20 =	smov.u32 s24;
	s24 =	smov.u32 s25;
	s25 =	sadd.s32 $0x1, s25  }
0xbe: {  	p0 =	sne.s32 s10, s25  }
.Ltmp17:
0xbf: {  	(pc) =	sbr.rel @p0 .LBB2_29-.Ltmp17, $3  }
0xc0: {  	_ =	sdelay $0x1  }
0xc1: {  	vm1 =	veq.f32 v7, v4  }
0xc2: {  	s26 =	sadd.s32 $0x10, s26;
	v5 =	vsel vm1, $0x1, v0;
	v6, _, _ =	vpop (xrf0)  }
0xc3: {  	s25 =	smov.u32 s18;
	s18 =	smov.u32 s24  }
.LBB2_31:
0xc4: {  	(xrf0) =	vadd.scan.msk.s32 $0xffff, v5  }
0xc5: {  	(v2sf) =	vpush @p2 v6, $0xF;
	_ =	sdelay $0x4  }
0xc6: {  	v5, _, _ =	vpop (xrf0)  }
0xc7: {  	p0 =	slt.s32 @p5 s22, $0x0;
	(v2sf) =	vpush v5, $0xF  }
0xc8: {  	s24 =	spop @p4 (v2sf);
	p0 =	por !p0, !p5  }
0xc9: {  	p6 =	sgt.s32 @p4 s24, $0x0;
	s21 =	smov.u32 @p0 s22;
	s22 =	simm.s32 $0xFFFFFFFF  }
0xca: {  	p0 =	por !p6, !p4;
	s22 =	smov.u32 @p5 s21;
	s21 =	smov.u32 @p3 s25  }
0xcb: {  	s23 =	smov.u32 @p0 s22;
	p0 =	slt.s32 @p4 s22, $0x0;
	s17 =	smov.u32 @p3 s21  }
0xcc: {  	s21 =	spop @p3 (v2sf);
	s23 =	smov.u32 @p4 s23;
	p0 =	por !p0, !p4  }
0xcd: {  	p5 =	sgt.s32 @p3 s21, $0x0;
	s21 =	simm.s32 $0xFFFFFFFF;
	s23 =	smov.u32 @p0 s22  }
0xce: {  	p0 =	por !p5, !p3;
	s21 =	smov.u32 @p4 s23  }
0xcf: {  	s19 =	smov.u32 @p2 s20;
	s17 =	smov.u32 @p0 s21;
	p0 =	slt.s32 @p3 s21, $0x0  }
0xd0: {  	s17 =	smov.u32 @p3 s17;
	p0 =	por !p0, !p3;
	s20 =	spop @p2 (v2sf)  }
0xd1: {  	s17 =	smov.u32 @p0 s21;
	p4 =	sgt.s32 @p2 s20, $0x0;
	s20 =	simm.s32 $0xFFFFFFFF  }
0xd2: {  	s19 =	smov.u32 @p2 s19;
	s20 =	smov.u32 @p3 s17;
	p0 =	por !p4, !p2  }
0xd3: {  	s19 =	smov.u32 @p0 s20;
	p0 =	slt.s32 @p2 s20, $0x0  }
0xd4: {  	s17 =	smov.u32 @p2 s19;
	p0 =	por !p0, !p2  }
0xd5: {  	s17 =	smov.u32 @p0 s20  }
0xd6: {  	s15 =	smov.u32 @p2 s17;
	s31 =	spop (v2sf)  }
0xd7: {  	s17 =	smov.u32 s15;
	p0 =	sgt.s32 s31, $0x0  }
0xd8: {  	s17 =	smov.u32 @p0 s18;
	p0 =	slt.s32 s15, $0x0  }
0xd9: {  	s15 =	smov.u32 @p0 s17  }
0xda: {  	s17 =	sshll.u32 s15, $0x4  }
0xdb: {  	v5 =	vld [tilespmem:s17+$0x5000];
	_ =	sdelay $0x4  }
0xdc: {  	vm1 =	veq.f32 v5, v4  }
0xdd: {  	v4 =	vnsel vm1, $0x80000010, v3  }
0xde: {  	(xrf0) =	vmin.scan.msk.u32 $0xffff, v4;
	_ =	sdelay $0x5  }
0xdf: {  	v4, _, _ =	vpop (xrf0)  }
0xe0: {  	(v2sf) =	vpush v4, $0xF;
	_ =	sdelay $0xd  }
0xe1: {  	v4 =	vld [tilespmem:s17+$0xA080]  }
0xe2: {  	v5 =	vld [tilespmem:s17+$0xF100];
	s20 =	spop (v2sf)  }
0xe3: {  	v6 =	vld [tilespmem:s17+$0x14180];
	s18 =	sxor.u32 $0x80000000, s20  }
0xe4: {  	v8 =	vld [tilespmem:s17+$0x19200];
	v7 =	vmov s18  }
0xe5: {  	vm1 =	veq.s32 v7, v1  }
0xe6: {  	v4 =	vnsel vm1, $0x0, v4  }
0xe7: {  	(xrf2) =	vadd.scan.msk.f32 $0xffff, v4;
	v4 =	vnsel vm1, $0x0, v5  }
0xe8: {  	(xrf2) =	vadd.scan.msk.f32 $0xffff, v4;
	v4 =	vnsel vm1, $0x0, v6  }
0xe9: {  	(xrf2) =	vadd.scan.msk.f32 $0xffff, v4;
	v4 =	vnsel vm1, $0x0, v8  }
0xea: {  	(xrf2) =	vadd.scan.msk.f32 $0xffff, v4;
	_ =	sdelay $0x6  }
0xeb: {  	v4, _, _ =	vpop (xrf2)  }
0xec: {  	v8, _, _ =	vpop (xrf2);
	(v2sf) =	vpush v4, $0xF  }
0xed: {  	v5, _, _ =	vpop (xrf2);
	(v2sf) =	vpush v8, $0xF  }
0xee: {  	(v2sf) =	vpush v5, $0xF;
	v7, _, _ =	vpop (xrf2)  }
0xef: {  	(v2sf) =	vpush v7, $0xF;
	_ =	sdelay $0xb  }
0xf0: {  	s21 =	spop (v2sf)  }
0xf1: {  	s22 =	spop (v2sf);
	s17 =	smax.f32 s21, $3.000000120e-01  }
0xf2: {  	s23 =	spop (v2sf);
	s18 =	smax.f32 s22, $3.000000120e-01  }
0xf3: {  	s24 =	spop (v2sf);
	s25 =	ssub.f32 s23, s21  }
0xf4: {  	s19 =	smin.f32 s23, $6.999999880e-01;
	s26 =	ssub.f32 s24, s22  }
0xf5: {  	s17 =	ssub.f32 s19, s17;
	s28 =	smin.f32 s24, $6.999999880e-01  }
0xf6: {  	s18 =	ssub.f32 s28, s18  }
0xf7: {  	s29 =	smul.f32 s26, s25  }
0xf8: {  	s17 =	smax.f32 s17, $0.0e+00;
	s18 =	smax.f32 s18, $0.0e+00  }
0xf9: {  	s17 =	smul.f32 s18, s17;
	s30 =	sadd.f32 $1.599999960e-01, s29  }
0xfa: {  	_ = 	snop  }
0xfb: {  	s18 =	ssub.f32 s30, s17;
	_ =	sdelay $0x1  }
0xfc: {  	v6 =	vmov s18  }
0xfd: {  	(erf) = vrcp.f32 v6;
	_ =	sdelay $0x8  }
0xfe: {  	v6 =	vpop (erf)  }
0xff: {  	v6 =	vmul.f32 s17, v6;
	_ =	sdelay $0x1  }
0x100: {  	(xrf0) =	vmax.scan.msk.f32 $0xffff, v6;
	_ =	sdelay $0x5  }
0x101: {  	v6, _, _ =	vpop (xrf0)  }
0x102: {  	(v2sf) =	vpush v6, $0xF;
	_ =	sdelay $0xe  }
0x103: {  	s31 =	sld [smem:$0x7FD];
	s17 =	spop (v2sf)  }
0x104: {  	p0 =	sgt.f32 s17, s13;
	_ =	sdelay $0x1  }
0x105: {  	s13 =	smov.u32 @p0 s17;
	s12 =	smov.u32 @p0 s16;
	p0 =	seq.s32 s31, $0x1  }
.Ltmp18:
0x106: {  	_ = 	snop;
	(pc) =	sbr.rel @p0 .LBB2_32-.Ltmp18, $3  }
0x107: {  	_ =	sdelay $0x1  }
0x108: {  	s20 =	simm.s32 $0x14180;
	v8 =	vbroadcast v8, $0xF;
	v5 =	vbroadcast v5, $0xF;
	s19 =	simm.s32 $0x19200  }
0x109: {  	v7 =	vbroadcast v7, $0xF;
	s18 =	simm.s32 $0xA080;
	v6 =	vbroadcast v4, $0xF;
	v4 =	vmov s29;
	s16 =	simm.f32 $-Inf;
	s17 =	simm.s32 $0xF100  }
0x10a: {  	v9 =	vld [tilespmem:s20+$0x0]  }
0x10b: {  	v10 =	vld [tilespmem:s18+$0x0]  }
0x10c: {  	v11 =	vld [tilespmem:s19+$0x0]  }
0x10d: {  	v12 =	vld [tilespmem:s17+$0x0];
	_ =	sdelay $0x3  }
0x10e: {  	p0 =	seq.s32 s11, $0x1;
	v13 =	vmin.f32 v5, v9;
	v14 =	vmax.f32 v6, v10;
	v9 =	vsub.f32 v9, v10  }
.Ltmp19:
0x10f: {  	v10 =	vmin.f32 v7, v11;
	v15 =	vmax.f32 v8, v12;
	v11 =	vsub.f32 v11, v12;
	(pc) =	sbr.rel @p0 .LBB2_34-.Ltmp19, $4  }
0x110: {  	v63 =	vsub.f32 v13, v14;
	v10 =	vsub.f32 v10, v15  }
0x111: {  	v11 =	vmul.f32 v11, v9  }
0x112: {  	v9 =	vmax.f32 v63, $0.0e+00;
	v10 =	vmax.f32 v10, $0.0e+00  }
0x113: {  	s21 =	sadd.s32 $0xFFFFFFFF, s11;
	p2 =	por $0x1, $0x1;
	v9 =	vmul.f32 v10, v9;
	v10 =	vadd.f32 v11, v4  }
0x114: {  	_ = 	snop  }
0x115: {  	v10 =	vsub.f32 v10, v9;
	_ =	sdelay $0x1  }
0x116: {  	(erf) = vrcp.f32 v10;
	_ =	sdelay $0x8  }
0x117: {  	v10 =	vld [tilespmem:s14+$0x0];
	v11 =	vpop (erf)  }
0x118: {  	p0 =	seq.s32 s15, $0x0;
	vm2 =	vmmov vm0;
	v9 =	vmul.f32 v11, v9  }
0x119: {  	vm2 =	vmneg @p0 vm2  }
0x11a: {  	vm2 =	vmand vm1, vm2;
	vm3 =	vgt.f32 v9, $5.000000000e-01  }
0x11b: {  	vm2 =	vmor vm2, vm3  }
0x11c: {  	v9 =	vsel vm2, $0xFF800000, v10  }
0x11d: {  	s22 =	simm.s32 $0x14190;
	[tilespmem:s14+$0x0] =	vst v9;
	(xrf0) =	vmax.scan.msk.f32 $0xffff, v9  }
0x11e: {  	s23 =	simm.s32 $0xA090;
	v10 =	vld [tilespmem:s22+$0x0]  }
0x11f: {  	s24 =	simm.s32 $0x19210;
	v11 =	vld [tilespmem:s23+$0x0]  }
0x120: {  	s25 =	simm.s32 $0xF110;
	v12 =	vld [tilespmem:s24+$0x0]  }
0x121: {  	v13 =	vld [tilespmem:s25+$0x0];
	_ =	sdelay $0x1  }
0x122: {  	v63, _, _ =	vpop (xrf0)  }
0x123: {  	(v2sf) =	vpush v63, $0xF  }
0x124: {  	p0 =	seq.s32 s21, $0x1;
	v9 =	vmin.f32 v5, v10;
	v14 =	vmax.f32 v6, v11;
	v10 =	vsub.f32 v10, v11  }
.Ltmp20:
0x125: {  	v11 =	vmin.f32 v7, v12;
	v15 =	vmax.f32 v8, v13;
	v12 =	vsub.f32 v12, v13;
	(pc) =	sbr.rel @p0 .LBB2_36-.Ltmp20, $4  }
0x126: {  	v9 =	vsub.f32 v9, v14;
	v11 =	vsub.f32 v11, v15  }
0x127: {  	v10 =	vmul.f32 v12, v10  }
0x128: {  	s29 =	sadd.s32 $0xFFFFFFFF, s21;
	p1 =	por $0x1, $0x1;
	v9 =	vmax.f32 v9, $0.0e+00;
	v11 =	vmax.f32 v11, $0.0e+00  }
0x129: {  	s26 =	simm.s32 $0x5000;
	s28 =	smov.u32 s15;
	s21 =	simm.f32 $-Inf;
	v9 =	vmul.f32 v11, v9;
	v10 =	vadd.f32 v10, v4  }
.LBB2_37:
0x12a: {  	p3 =	seq.s32 s29, $0x1  }
0x12b: {  	v10 =	vsub.f32 v10, v9;
	_ =	sdelay $0x1  }
0x12c: {  	(erf) = vrcp.f32 v10;
	_ =	sdelay $0x4  }
0x12d: {  	s30 =	spop (v2sf)  }
0x12e: {  	s21 =	smax.f32 s21, s30;
	_ =	sdelay $0x1  }
0x12f: {  	s26 =	sadd.s32 $0x10, s26  }
0x130: {  	s28 =	sadd.s32 $0xFFFFFFFF, s28;
	v10 =	vld [tilespmem:s26+$0x0];
	v11 =	vpop (erf)  }
0x131: {  	vm2 =	vmmov vm0;
	p0 =	seq.s32 s28, $0x0;
	v9 =	vmul.f32 v11, v9  }
0x132: {  	vm2 =	vmneg @p0 vm2  }
0x133: {  	vm2 =	vmand vm1, vm2;
	vm3 =	vgt.f32 v9, $5.000000000e-01  }
0x134: {  	vm2 =	vmor vm2, vm3  }
0x135: {  	v9 =	vsel vm2, $0xFF800000, v10  }
0x136: {  	s22 =	sadd.s32 $0x10, s22;
	[tilespmem:s26+$0x0] =	vst v9;
	(xrf0) =	vmax.scan.msk.f32 $0xffff, v9  }
0x137: {  	s23 =	sadd.s32 $0x10, s23;
	v9 =	vld [tilespmem:s22+$0x0]  }
0x138: {  	s24 =	sadd.s32 $0x10, s24;
	v10 =	vld [tilespmem:s23+$0x0]  }
0x139: {  	s25 =	sadd.s32 $0x10, s25;
	v11 =	vld [tilespmem:s24+$0x0]  }
0x13a: {  	v12 =	vld [tilespmem:s25+$0x0];
	_ =	sdelay $0x1  }
0x13b: {  	v13, _, _ =	vpop (xrf0)  }
0x13c: {  	(v2sf) =	vpush v13, $0xF  }
0x13d: {  	v13 =	vmin.f32 v5, v9;
	v14 =	vmax.f32 v6, v10;
	v9 =	vsub.f32 v9, v10  }
.Ltmp21:
0x13e: {  	v10 =	vmin.f32 v7, v11;
	v15 =	vmax.f32 v8, v12;
	v11 =	vsub.f32 v11, v12;
	(pc) =	sbr.rel @!p3 .LBB2_37-.Ltmp21, $4  }
0x13f: {  	v12 =	vsub.f32 v13, v14;
	v10 =	vsub.f32 v10, v15  }
0x140: {  	v11 =	vmul.f32 v11, v9  }
0x141: {  	v9 =	vmax.f32 v12, $0.0e+00;
	v10 =	vmax.f32 v10, $0.0e+00  }
0x142: {  	s29 =	sadd.s32 $0xFFFFFFFF, s29;
	v9 =	vmul.f32 v10, v9;
	v10 =	vadd.f32 v11, v4  }
.LBB2_38:
0x143: {  	_ = 	snop  }
0x144: {  	v10 =	vsub.f32 @p2 v10, v9;
	_ =	sdelay $0x1  }
0x145: {  	(erf) = vrcp.f32 @p2 v10;
	_ =	sdelay $0x5  }
0x146: {  	s26 =	sadd.s32 @p1 $0x10, s26  }
0x147: {  	s29 =	simm.s32 $0x5000;
	s28 =	sadd.s32 @p1 $0xFFFFFFFF, s28;
	s30 =	smov.u32 s15  }
0x148: {  	s29 =	smov.u32 @p1 s26;
	s30 =	smov.u32 @p1 s28  }
0x149: {  	p0 =	seq.s32 @p2 s30, $0x0;
	v10 =	vld @p2 [tilespmem:s29+$0x0];
	v11 =	vpop @p2 (erf)  }
0x14a: {  	vm2 =	vmmov vm0;
	p0 =	por !p0, !p2;
	v9 =	vmul.f32 @p2 v11, v9  }
0x14b: {  	vm2 =	vmneg @!p0 vm2  }
0x14c: {  	vm2 =	vmand @p2 vm1, vm2;
	vm3 =	vgt.f32 @p2 v9, $5.000000000e-01  }
0x14d: {  	vm2 =	vmor @p2 vm2, vm3  }
0x14e: {  	s22 =	sadd.s32 @p2 $0x10, s22;
	v9 =	vsel @p2 vm2, $0xFF800000, v10  }
0x14f: {  	s20 =	smov.u32 @p2 s22;
	s22 =	sadd.s32 @p2 $0x10, s23;
	[tilespmem:s29+$0x0] =	vst @p2 v9  }
0x150: {  	s18 =	smov.u32 @p2 s22;
	v58 =	vld [tilespmem:s20+$0x0];
	s20 =	sadd.s32 @p2 $0x10, s24  }
0x151: {  	v59 =	vld [tilespmem:s18+$0x0];
	s18 =	sadd.s32 @p2 $0x10, s25;
	s19 =	smov.u32 @p2 s20  }
0x152: {  	s17 =	smov.u32 @p2 s18;
	v12 =	vld [tilespmem:s19+$0x0]  }
0x153: {  	v13 =	vld [tilespmem:s17+$0x0];
	_ =	sdelay $0x3  }
0x154: {  	v5 =	vmin.f32 v5, v58;
	v6 =	vmax.f32 v6, v59;
	v10 =	vsub.f32 v58, v59  }
0x155: {  	v7 =	vmin.f32 v7, v12;
	v8 =	vmax.f32 v8, v13;
	v60 =	vsub.f32 v12, v13  }
0x156: {  	v5 =	vsub.f32 v5, v6;
	v61 =	vsub.f32 v7, v8  }
0x157: {  	v62 =	vmul.f32 v60, v10  }
0x158: {  	v5 =	vmax.f32 v5, $0.0e+00;
	v6 =	vmax.f32 v61, $0.0e+00  }
0x159: {  	v5 =	vmul.f32 v6, v5;
	v4 =	vadd.f32 v62, v4;
	_ =	sdelay $0x1  }
0x15a: {  	v4 =	vsub.f32 v4, v5;
	_ =	sdelay $0x1  }
0x15b: {  	(erf) = vrcp.f32 v4;
	_ =	sdelay $0x6  }
0x15c: {  	s17 =	sadd.s32 @p2 $0x10, s29  }
0x15d: {  	s14 =	smov.u32 @p2 s17;
	s17 =	sadd.s32 @p2 $0xFFFFFFFF, s30  }
0x15e: {  	s15 =	smov.u32 @p2 s17;
	v4 =	vld [tilespmem:s14+$0x0];
	v63 =	vpop (erf)  }
0x15f: {  	vm2 =	vmmov vm0;
	p0 =	seq.s32 s15, $0x0;
	v5 =	vmul.f32 v63, v5  }
0x160: {  	vm2 =	vmneg @p0 vm2  }
0x161: {  	vm1 =	vmand vm1, vm2;
	vm3 =	vgt.f32 v5, $5.000000000e-01  }
0x162: {  	(xrf0) =	vmax.scan.msk.f32 @p2 $0xffff, v9;
	vm1 =	vmor vm1, vm3  }
0x163: {  	v4 =	vsel vm1, $0xFF800000, v4  }
0x164: {  	(xrf0) =	vmax.scan.msk.f32 $0xffff, v4;
	_ =	sdelay $0x3  }
0x165: {  	v5, _, _ =	vpop @p2 (xrf0)  }
0x166: {  	(v2sf) =	vpush @p2 v5, $0xF  }
0x167: {  	v5, _, _ =	vpop (xrf0)  }
0x168: {  	(v2sf) =	vpush v5, $0xF;
	_ =	sdelay $0xa  }
0x169: {  	s15 =	spop @p1 (v2sf)  }
0x16a: {  	s17 =	simm.f32 $-Inf;
	s15 =	smax.f32 @p1 s21, s15  }
0x16b: {  	s17 =	smov.u32 @p1 s15;
	s18 =	spop @p2 (v2sf)  }
0x16c: {  	s15 =	smax.f32 @p2 s17, s18  }
0x16d: {  	s16 =	smov.u32 @p2 s15;
	s31 =	spop (v2sf)  }
0x16e: {  	[tilespmem:s14+$0x0] =	vst v4;
	s16 =	smax.f32 s16, s31  }
0x16f: {  	p1 =	sgt.f32 s16, $5.000000000e-01  }
.Ltmp22:
0x170: {  	_ = 	snop;
	(pc) =	sbr.rel @p1 .LBB2_19-.Ltmp22, $4  }
.Ltmp23:
0x171: {  	_ = 	snop;
	(pc) =	sbr.rel @!p1 .LBB2_39-.Ltmp23, $4  }
0x172: {  	_ = 	snop  }
0x173: {  	_ = 	snop  }
0x174: {  	_ = 	snop  }
0x175: {  	_ = 	snop  }
.LBB2_20:
.Ltmp24:
0x176: {  	(pc) =	sbr.rel .LBB2_31-.Ltmp24, $2  }
0x177: {  	_ =	sdelay $0x2  }
0x178: {  	s22 =	simm.s32 $0xFFFFFFFF;
	s18 =	simm.s32 $0x0;
	p5 =	por $0x0, $0x0  }
.LBB2_32:
.Ltmp25:
0x179: {  	(pc) =	sbr.rel .LBB2_38-.Ltmp25, $4  }
0x17a: {  	_ = 	snop  }
0x17b: {  	s21 =	simm.f32 $-Inf;
	s26 =	simm.s32 $0x5000  }
0x17c: {  	s22 =	simm.s32 $0x14180;
	s23 =	simm.s32 $0xA080;
	s28 =	smov.u32 s15  }
0x17d: {  	s24 =	simm.s32 $0x19200;
	s25 =	simm.s32 $0xF100;
	p2 =	por $0x0, $0x0  }
.LBB2_22:
.Ltmp26:
0x17e: {  	(pc) =	sbr.rel .LBB2_31-.Ltmp26, $3  }
0x17f: {  	_ =	sdelay $0x1  }
0x180: {  	s22 =	simm.s32 $0xFFFFFFFF  }
0x181: {  	s20 =	simm.s32 $0x0;
	s18 =	simm.s32 $0x1;
	p5 =	por $0x0, $0x0  }
.LBB2_34:
.Ltmp27:
0x182: {  	(pc) =	sbr.rel .LBB2_38-.Ltmp27, $4  }
0x183: {  	_ = 	snop  }
0x184: {  	s21 =	simm.f32 $-Inf  }
0x185: {  	s26 =	simm.s32 $0x5000;
	s22 =	simm.s32 $0x14180;
	s28 =	smov.u32 s15  }
0x186: {  	s23 =	simm.s32 $0xA080;
	s24 =	simm.s32 $0x19200;
	s25 =	simm.s32 $0xF100  }
.LBB2_24:
.Ltmp28:
0x187: {  	(pc) =	sbr.rel .LBB2_31-.Ltmp28, $3  }
0x188: {  	_ =	sdelay $0x1  }
0x189: {  	s22 =	simm.s32 $0xFFFFFFFF  }
0x18a: {  	s25 =	simm.s32 $0x0;
	s20 =	simm.s32 $0x1;
	p5 =	por $0x0, $0x0  }
.LBB2_36:
.Ltmp29:
0x18b: {  	(pc) =	sbr.rel .LBB2_38-.Ltmp29, $2  }
0x18c: {  	_ =	sdelay $0x2  }
0x18d: {  	s21 =	simm.f32 $-Inf;
	s26 =	simm.s32 $0x5000;
	s28 =	smov.u32 s15  }
.LBB2_26:
.Ltmp30:
0x18e: {  	(pc) =	sbr.rel .LBB2_31-.Ltmp30, $3  }
0x18f: {  	_ =	sdelay $0x1  }
0x190: {  	s22 =	simm.s32 $0xFFFFFFFF;
	s23 =	simm.s32 $0x0;
	s25 =	simm.s32 $0x1  }
0x191: {  	s20 =	simm.s32 $0x2;
	s18 =	simm.s32 $0x3;
	p5 =	por $0x0, $0x0  }
.LBB2_28:
.Ltmp31:
0x192: {  	(pc) =	sbr.rel .LBB2_31-.Ltmp31, $3  }
0x193: {  	_ =	sdelay $0x1  }
0x194: {  	s22 =	simm.s32 $0xFFFFFFFF  }
0x195: {  	s23 =	simm.s32 $0x1;
	s25 =	simm.s32 $0x2;
	s18 =	simm.s32 $0x4  }
.LBB2_39:
.Ltmp32:
0x196: {  	(pc) =	sbr.rel .LBB2_40-.Ltmp32, $4  }
0x197: {  	_ = 	snop  }
0x198: {  	s12 =	smul.f32 s12, s13;
	p0 =	sge.f32 s13, $0.0e+00  }
0x199: {  	_ = 	snop  }
0x19a: {  	s12 =	simm.s32 @!p0 $0x0  }
.LBB2_9:
.Ltmp33:
0x19b: {  	(pc) =	sbr.rel .LBB2_17-.Ltmp33, $2  }
0x19c: {  	_ =	sdelay $0x2  }
0x19d: {  	s13 =	simm.f32 $-Inf  }
.LBB2_11:
.Ltmp34:
0x19e: {  	(pc) =	sbr.rel .LBB2_17-.Ltmp34, $2  }
0x19f: {  	_ =	sdelay $0x2  }
0x1a0: {  	s13 =	simm.f32 $-Inf  }
.LBB2_13:
.Ltmp35:
0x1a1: {  	(pc) =	sbr.rel .LBB2_17-.Ltmp35, $2  }
0x1a2: {  	_ =	sdelay $0x2  }
0x1a3: {  	s13 =	simm.f32 $-Inf  }
.LBB2_15:
.Ltmp36:
0x1a4: {  	(pc) =	sbr.rel .LBB2_17-.Ltmp36, $2  }
0x1a5: {  	_ =	sdelay $0x2  }
0x1a6: {  	s13 =	simm.f32 $-Inf  }
.LBB2_41:
0x1a7: {  	_ =	sfence.sel $0x180000  }
0x1a8: {  	[bflag:$0x0] =	sbarrier.arrive $0xFFFF  }
0x1a9: {  	p0 =	sne.s32 s1, $0x0;
	_ =	strace $0x90000047  }
0x1aa: {  	s0 =	sadd.s32 @!p0 $0x100000, s0;
	[bflag:$0x2] =	sbarrier.arrive $0xFFFF  }
0x1ab: {  	[sflag:s0] =	ssyncadd.tile.s32 @!p0 $0x1;
	_ =	shalt  }
.Lfunc_end2:
_tile_overlayer_lowered:
.L_overlay_start_2:
0x1ac: {  	(tag) =	ssettag $0x2  }
0x1ad: {  	s0 =	rddreg [dreg:$0x0];
	s2 =	stileid.u32  }
0x1ae: {  	s1 =	rddreg [dreg:$0x1];
	p0 =	sne.s32 s2, $0x0  }
0x1af: {  	s3 =	rddreg [dreg:$0x2];
	[bflag:$0x3] =	sbarrier.arrive $0xFFFF;
	s2 =	simm.s32 @!p0 $0x1C01  }
0x1b0: {  	[timem:s3], [sflag:s2] =	dma.local @!p0 [hbm:s0], s1  }
0x1b1: {  	s0 =	simm.s32 @!p0 $0x1  }
0x1b2: {  	_ =	swait.ge @!p0 [sflag:s0], s1  }
0x1b3: {  	s1 =	ssub.s32 @!p0 $0x0, s1;
	[sflag:s0] =	ssyncset.done @!p0 $0x0  }
0x1b4: {  	[sflag:s0] =	ssyncadd.s32 @!p0 s1  }
0x1b5: {  	[bflag:$0x3] =	sbarrier.arrive $0xFFFF  }
0x1b6: {  	_ =	shalt  }

</sc_bundles>
